<compile_context>
chip_gen: v7x
topology: tpu7x:2x2x1
jax: 0.10.2.dev20260603
libtpu: 0.0.44.dev20260713+nightly
codegen_flags: <defaults>
</compile_context>

<pallas_src>
import jax
import jax.numpy as jnp
from jax import lax
from jax.experimental import pallas as pl
from jax.experimental.pallas import tpu as pltpu
from jax.experimental.pallas import tpu_sc as plsc

F = 26
V = 100000
D = 32
B = 16384
L = 16
NC, NS = 2, 16
NW = NC * NS
BPW = B // NW
CHUNK = 128
CPF = BPW // CHUNK
NCHUNK = CPF * F


def _body(xt_hbm, tbl_hbm, out_hbm, idxq, bufa, bufb, bufc, bufd, acc, sem):
    wid = lax.axis_index("s") * NC + lax.axis_index("c")

    pltpu.sync_copy(xt_hbm.at[pl.ds(wid * NCHUNK, NCHUNK)], idxq)

    zv = jnp.zeros((L,), jnp.float32)
    def zb(r, _):
        acc[r, pl.ds(0, L)] = zv
        acc[r, pl.ds(L, L)] = zv
        return 0
    lax.fori_loop(0, BPW, zb, 0)

    def fire(c, dst):
        pltpu.async_copy(tbl_hbm.at[c // CPF].at[idxq.at[c]], dst, sem)

    def drain(c, src):
        pltpu.make_async_copy(tbl_hbm.at[c // CPF].at[idxq.at[c]], src,
                              sem).wait()

    def accum(c, src):
        r0 = (c % CPF) * CHUNK
        def rb(r8, _):
            for rr in range(8):
                r = r8 * 8 + rr
                plsc.addupdate(acc.at[r0 + r, pl.ds(0, L)], src[r, pl.ds(0, L)])
                plsc.addupdate(acc.at[r0 + r, pl.ds(L, L)], src[r, pl.ds(L, L)])
            return 0
        lax.fori_loop(0, CHUNK // 8, rb, 0)

    fire(0, bufa)
    fire(1, bufb)
    fire(2, bufc)
    def pb(p, _):
        e = 4 * p
        fire(e + 3, bufd)
        drain(e, bufa)
        accum(e, bufa)
        @pl.when(p < NCHUNK // 4 - 1)
        def _():
            fire(e + 4, bufa)
        drain(e + 1, bufb)
        accum(e + 1, bufb)
        @pl.when(p < NCHUNK // 4 - 1)
        def _():
            fire(e + 5, bufb)
        drain(e + 2, bufc)
        accum(e + 2, bufc)
        @pl.when(p < NCHUNK // 4 - 1)
        def _():
            fire(e + 6, bufc)
        drain(e + 3, bufd)
        accum(e + 3, bufd)
        return 0
    lax.fori_loop(0, NCHUNK // 4, pb, 0)

    pltpu.sync_copy(acc, out_hbm.at[pl.ds(wid * BPW, BPW)])


@jax.jit
def _run(xt, tbl):
    mesh = plsc.VectorSubcoreMesh(core_axis_name="c", subcore_axis_name="s")
    return pl.kernel(
        _body,
        out_type=jax.ShapeDtypeStruct((B, D), jnp.float32),
        mesh=mesh,
        scratch_types=[
            pltpu.VMEM((NCHUNK, CHUNK), jnp.int32),
            pltpu.VMEM((CHUNK, D), jnp.float32),
            pltpu.VMEM((CHUNK, D), jnp.float32),
            pltpu.VMEM((CHUNK, D), jnp.float32),
            pltpu.VMEM((CHUNK, D), jnp.float32),
            pltpu.VMEM((BPW, D), jnp.float32),
            pltpu.SemaphoreType.DMA,
        ],
        compiler_params=pltpu.CompilerParams(use_tc_tiling_on_sc=False),
    )(xt, tbl)


def kernel(x, tables):
    xt = x.reshape(NW, BPW, F).transpose(0, 2, 1).reshape(-1, CHUNK)
    return _run(xt, tables)

# --- scband reference (transcript-rebuilt; emitter-appended) ---
"""Pipeline reference for scband-embed-encoder-90426241450344 (READ-ONLY COPY).

The authoritative reference and input builder live on the scoring server;
editing this copy changes nothing except your own understanding.
"""

import jax, jax.numpy as jnp
import numpy as np

NUM_FIELDS = 26
VOCAB = 100000
EMB_DIM = 32
BATCH = 16384


def setup_inputs(seed: int = 0) -> dict:
    key = jax.random.key(seed)
    kx, kt = jax.random.split(key)
    # forward input: one categorical index per field
    x = jax.random.randint(kx, (BATCH, NUM_FIELDS), 0, VOCAB, dtype=jnp.int32)
    # learned parameters: one embedding table per field, xavier_uniform init
    a = float(np.sqrt(6.0 / (VOCAB + EMB_DIM)))
    tables = jax.random.uniform(kt, (NUM_FIELDS, VOCAB, EMB_DIM), minval=-a, maxval=a, dtype=jnp.float32)
    return {"x": x, "tables": tables}


def reference(x, tables):
    # x: int[B, F]; tables: float32[F, VOCAB, EMB_DIM]
    # Faithful to torch: x_embedding = sum_i embedding_list[i](x[:, i])
    out = jnp.zeros((x.shape[0], tables.shape[2]), dtype=tables.dtype)
    for i in range(x.shape[1]):
        out = out + jnp.take(tables[i], x[:, i], axis=0)
    return out

if __name__ == "__main__":
    import jax
    _d = setup_inputs()
    print(jax.jit(kernel)(*tuple(_d.values())))

</pallas_src>

<mosaic_0001>
#map = affine_map<(d0, d1) -> (0, 0)>
#map1 = affine_map<(d0, d1) -> (0, 0, 0)>
module attributes {stable_mosaic.version = 14 : i64} {
  func.func @_body(%arg0: i32, %arg1: i32, %arg2: memref<3328x128xi32, #tpu.memory_space<hbm>>, %arg3: memref<26x100000x32xf32, #tpu.memory_space<hbm>>, %arg4: memref<16384x32xf32, #tpu.memory_space<hbm>>, %arg5: memref<104x128xi32, #tpu.memory_space<vmem>>, %arg6: memref<128x32xf32, #tpu.memory_space<vmem>>, %arg7: memref<128x32xf32, #tpu.memory_space<vmem>>, %arg8: memref<128x32xf32, #tpu.memory_space<vmem>>, %arg9: memref<128x32xf32, #tpu.memory_space<vmem>>, %arg10: memref<512x32xf32, #tpu.memory_space<vmem>>, %arg11: memref<!tpu.dma_semaphore, #tpu.memory_space<semaphore_mem>>) attributes {dimension_semantics = [#tpu.dimension_semantics<core_parallel>, #tpu.dimension_semantics<subcore_parallel>], iteration_bounds = array<i64: 2, 16>, scalar_prefetch = 0 : i64, scratch_operands = 7 : i64, tpu.core_type = #tpu.core_type<sc_vector_subcore>, window_params = [{transform_indices = #map}, {transform_indices = #map1}, {transform_indices = #map}]} {
    %mul3A = arith.constant 2 : i32
    %mul3A_0 = arith.muli %arg1, %mul3A : i32
    %add3A = arith.addi %mul3A_0, %arg0 : i32
    %mul3A_1 = arith.constant 104 : i32
    %mul3A_2 = arith.muli %add3A, %mul3A_1 : i32
    "tpu.region"() ({
      %run_scoped3A = tpu.sem_alloc : memref<!tpu.dma_semaphore, #tpu.memory_space<semaphore_mem>>
      %dma_start3A_54 = arith.constant 0 : i32
      %dma_start3A_55 = tpu.memref_slice %arg2[%mul3A_2, %dma_start3A_54] : memref<3328x128xi32, #tpu.memory_space<hbm>> -> memref<104x128xi32, #tpu.memory_space<hbm>>
      %dma_start3A_56 = arith.constant 0 : i32
      %dma_start3A_57 = tpu.memref_slice %arg2[%mul3A_2, %dma_start3A_56] : memref<3328x128xi32, #tpu.memory_space<hbm>> -> memref<104x128xi32, #tpu.memory_space<hbm>>
      tpu.enqueue_dma source(%dma_start3A_57 : memref<104x128xi32, #tpu.memory_space<hbm>>) target(%arg5 : memref<104x128xi32, #tpu.memory_space<vmem>>) target_semaphore(%run_scoped3A : memref<!tpu.dma_semaphore, #tpu.memory_space<semaphore_mem>>)
      %dma_wait3A = arith.constant 0 : i32
      %dma_wait3A_58 = tpu.memref_slice %arg2[%mul3A_2, %dma_wait3A] : memref<3328x128xi32, #tpu.memory_space<hbm>> -> memref<104x128xi32, #tpu.memory_space<hbm>>
      %dma_wait3A_59 = arith.constant 0 : i32
      %dma_wait3A_60 = tpu.memref_slice %arg2[%mul3A_2, %dma_wait3A_59] : memref<3328x128xi32, #tpu.memory_space<hbm>> -> memref<104x128xi32, #tpu.memory_space<hbm>>
      tpu.wait_dma2 semaphore(%run_scoped3A : memref<!tpu.dma_semaphore, #tpu.memory_space<semaphore_mem>>) src(%dma_wait3A_60 : memref<104x128xi32, #tpu.memory_space<hbm>>) dst(%arg5 : memref<104x128xi32, #tpu.memory_space<vmem>>)
      tpu.yield
    }) : () -> ()
    %broadcast_in_dim3A = arith.constant 0.000000e+00 : f32
    %broadcast_in_dim3A_3 = vector.broadcast %broadcast_in_dim3A : f32 to vector<16xf32>
    %scan3A = arith.constant 0 : i32
    %scan3A_4 = arith.constant 0 : i32
    %scan3A_5 = arith.constant 512 : i32
    %scan3A_6 = arith.addi %scan3A_4, %scan3A_5 : i32
    %scan3A_7 = arith.constant 1 : i32
    %scan3A_8 = scf.for %scan3A_54 = %scan3A_4 to %scan3A_6 step %scan3A_7 iter_args(%scan3A_55 = %scan3A) -> (i32)  : i32 {
      %swap3A = arith.index_cast %scan3A_54 : i32 to index
      %swap3A_56 = arith.constant 0 : index
      %swap3A_57 = tpu.vector_load %arg10[%swap3A, %swap3A_56] {strides = array<i32>} : memref<512x32xf32, #tpu.memory_space<vmem>>, vector<1x16xf32>,
      %swap3A_58 = vector.shape_cast %swap3A_57 : vector<1x16xf32> to vector<16xf32>
      %swap3A_59 = vector.shape_cast %broadcast_in_dim3A_3 : vector<16xf32> to vector<1x16xf32>
      tpu.vector_store %arg10[%swap3A, %swap3A_56], %swap3A_59 {strides = array<i32>} : memref<512x32xf32, #tpu.memory_space<vmem>>, vector<1x16xf32>,
      %swap3A_60 = arith.index_cast %scan3A_54 : i32 to index
      %swap3A_61 = arith.constant 16 : index
      %swap3A_62 = tpu.vector_load %arg10[%swap3A_60, %swap3A_61] {strides = array<i32>} : memref<512x32xf32, #tpu.memory_space<vmem>>, vector<1x16xf32>,
      %swap3A_63 = vector.shape_cast %swap3A_62 : vector<1x16xf32> to vector<16xf32>
      %swap3A_64 = vector.shape_cast %broadcast_in_dim3A_3 : vector<16xf32> to vector<1x16xf32>
      tpu.vector_store %arg10[%swap3A_60, %swap3A_61], %swap3A_64 {strides = array<i32>} : memref<512x32xf32, #tpu.memory_space<vmem>>, vector<1x16xf32>,
      %scan3A_65 = arith.constant 0 : i32
      scf.yield %scan3A_65 : i32
    }
    %scan3A_9 = arith.constant 512 : i32
    %dma_start3A = arith.constant 0 : i32
    %dma_start3A_10 = arith.constant 0 : i32
    %dma_start3A_11 = arith.constant 0 : i32
    %dma_start3A_12 = tpu.memref_slice %arg5[%dma_start3A_10, %dma_start3A_11] : memref<104x128xi32, #tpu.memory_space<vmem>> -> memref<1x128xi32, #tpu.memory_space<vmem>>
    %dma_start3A_13 = tpu.memref_squeeze %dma_start3A_12 : memref<1x128xi32, #tpu.memory_space<vmem>> -> memref<128xi32, #tpu.memory_space<vmem>>
    %dma_start3A_14 = arith.constant 0 : i32
    %dma_start3A_15 = arith.constant 0 : i32
    %dma_start3A_16 = tpu.memref_slice %arg3[%dma_start3A, %dma_start3A_14, %dma_start3A_15] : memref<26x100000x32xf32, #tpu.memory_space<hbm>> -> memref<1x100000x32xf32, #tpu.memory_space<hbm>>
    %dma_start3A_17 = tpu.memref_squeeze %dma_start3A_16 : memref<1x100000x32xf32, #tpu.memory_space<hbm>> -> memref<100000x32xf32, #tpu.memory_space<hbm>>
    %dma_start3A_18 = arith.constant 0 : i32
    %dma_start3A_19 = arith.constant 0 : i32
    %dma_start3A_20 = tpu.memref_slice %dma_start3A_17[%dma_start3A_18, %dma_start3A_19] : memref<100000x32xf32, #tpu.memory_space<hbm>> -> memref<100000x32xf32, #tpu.memory_space<hbm>>
    tpu.enqueue_indirect_dma source(%dma_start3A_20 : memref<100000x32xf32, #tpu.memory_space<hbm>>) target(%arg6 : memref<128x32xf32, #tpu.memory_space<vmem>>) offsets(%dma_start3A_13 : memref<128xi32, #tpu.memory_space<vmem>>) semaphore(%arg11 : memref<!tpu.dma_semaphore, #tpu.memory_space<semaphore_mem>>)
    %dma_start3A_21 = arith.constant 0 : i32
    %dma_start3A_22 = arith.constant 1 : i32
    %dma_start3A_23 = arith.constant 0 : i32
    %dma_start3A_24 = tpu.memref_slice %arg5[%dma_start3A_22, %dma_start3A_23] : memref<104x128xi32, #tpu.memory_space<vmem>> -> memref<1x128xi32, #tpu.memory_space<vmem>>
    %dma_start3A_25 = tpu.memref_squeeze %dma_start3A_24 : memref<1x128xi32, #tpu.memory_space<vmem>> -> memref<128xi32, #tpu.memory_space<vmem>>
    %dma_start3A_26 = arith.constant 0 : i32
    %dma_start3A_27 = arith.constant 0 : i32
    %dma_start3A_28 = tpu.memref_slice %arg3[%dma_start3A_21, %dma_start3A_26, %dma_start3A_27] : memref<26x100000x32xf32, #tpu.memory_space<hbm>> -> memref<1x100000x32xf32, #tpu.memory_space<hbm>>
    %dma_start3A_29 = tpu.memref_squeeze %dma_start3A_28 : memref<1x100000x32xf32, #tpu.memory_space<hbm>> -> memref<100000x32xf32, #tpu.memory_space<hbm>>
    %dma_start3A_30 = arith.constant 0 : i32
    %dma_start3A_31 = arith.constant 0 : i32
    %dma_start3A_32 = tpu.memref_slice %dma_start3A_29[%dma_start3A_30, %dma_start3A_31] : memref<100000x32xf32, #tpu.memory_space<hbm>> -> memref<100000x32xf32, #tpu.memory_space<hbm>>
    tpu.enqueue_indirect_dma source(%dma_start3A_32 : memref<100000x32xf32, #tpu.memory_space<hbm>>) target(%arg7 : memref<128x32xf32, #tpu.memory_space<vmem>>) offsets(%dma_start3A_25 : memref<128xi32, #tpu.memory_space<vmem>>) semaphore(%arg11 : memref<!tpu.dma_semaphore, #tpu.memory_space<semaphore_mem>>)
    %dma_start3A_33 = arith.constant 0 : i32
    %dma_start3A_34 = arith.constant 2 : i32
    %dma_start3A_35 = arith.constant 0 : i32
    %dma_start3A_36 = tpu.memref_slice %arg5[%dma_start3A_34, %dma_start3A_35] : memref<104x128xi32, #tpu.memory_space<vmem>> -> memref<1x128xi32, #tpu.memory_space<vmem>>
    %dma_start3A_37 = tpu.memref_squeeze %dma_start3A_36 : memref<1x128xi32, #tpu.memory_space<vmem>> -> memref<128xi32, #tpu.memory_space<vmem>>
    %dma_start3A_38 = arith.constant 0 : i32
    %dma_start3A_39 = arith.constant 0 : i32
    %dma_start3A_40 = tpu.memref_slice %arg3[%dma_start3A_33, %dma_start3A_38, %dma_start3A_39] : memref<26x100000x32xf32, #tpu.memory_space<hbm>> -> memref<1x100000x32xf32, #tpu.memory_space<hbm>>
    %dma_start3A_41 = tpu.memref_squeeze %dma_start3A_40 : memref<1x100000x32xf32, #tpu.memory_space<hbm>> -> memref<100000x32xf32, #tpu.memory_space<hbm>>
    %dma_start3A_42 = arith.constant 0 : i32
    %dma_start3A_43 = arith.constant 0 : i32
    %dma_start3A_44 = tpu.memref_slice %dma_start3A_41[%dma_start3A_42, %dma_start3A_43] : memref<100000x32xf32, #tpu.memory_space<hbm>> -> memref<100000x32xf32, #tpu.memory_space<hbm>>
    tpu.enqueue_indirect_dma source(%dma_start3A_44 : memref<100000x32xf32, #tpu.memory_space<hbm>>) target(%arg8 : memref<128x32xf32, #tpu.memory_space<vmem>>) offsets(%dma_start3A_37 : memref<128xi32, #tpu.memory_space<vmem>>) semaphore(%arg11 : memref<!tpu.dma_semaphore, #tpu.memory_space<semaphore_mem>>)
    %scan3A_45 = arith.constant 0 : i32
    %scan3A_46 = arith.constant 0 : i32
    %scan3A_47 = arith.constant 26 : i32
    %scan3A_48 = arith.addi %scan3A_46, %scan3A_47 : i32
    %scan3A_49 = arith.constant 1 : i32
    %scan3A_50 = scf.for %scan3A_54 = %scan3A_46 to %scan3A_48 step %scan3A_49 iter_args(%scan3A_55 = %scan3A_45) -> (i32)  : i32 {
      %mul3A_56 = arith.constant 4 : i32
      %mul3A_57 = arith.muli %mul3A_56, %scan3A_54 : i32
      %add3A_58 = arith.constant 3 : i32
      %add3A_59 = arith.addi %mul3A_57, %add3A_58 : i32
      %jit3A = arith.constant 4 : i32
      %div3A = arith.divsi %add3A_59, %jit3A : i32
      %sign3A = arith.constant 0 : i32
      %sign3A_60 = arith.cmpi sgt, %add3A_59, %sign3A : i32
      %sign3A_61 = arith.extui %sign3A_60 : i1 to i32
      %sign3A_62 = arith.constant 0 : i32
      %sign3A_63 = arith.cmpi slt, %add3A_59, %sign3A_62 : i32
      %sign3A_64 = arith.extui %sign3A_63 : i1 to i32
      %sign3A_65 = arith.subi %sign3A_61, %sign3A_64 : i32
      %sign3A_66 = arith.constant 0 : i32
      %sign3A_67 = arith.cmpi sgt, %jit3A, %sign3A_66 : i32
      %sign3A_68 = arith.extui %sign3A_67 : i1 to i32
      %sign3A_69 = arith.constant 0 : i32
      %sign3A_70 = arith.cmpi slt, %jit3A, %sign3A_69 : i32
      %sign3A_71 = arith.extui %sign3A_70 : i1 to i32
      %sign3A_72 = arith.subi %sign3A_68, %sign3A_71 : i32
      %ne3A = arith.cmpi ne, %sign3A_65, %sign3A_72 : i32
      %rem3A = arith.remsi %add3A_59, %jit3A : i32
      %ne3A_73 = arith.constant 0 : i32
      %ne3A_74 = arith.cmpi ne, %rem3A, %ne3A_73 : i32
      %and3A = arith.andi %ne3A, %ne3A_74 : i1
      %sub3A = arith.constant 1 : i32
      %sub3A_75 = arith.subi %div3A, %sub3A : i32
      %select_n3A = arith.select %and3A, %sub3A_75, %div3A : i32
      %dma_start3A_76 = arith.constant 0 : i32
      %dma_start3A_77 = tpu.memref_slice %arg5[%add3A_59, %dma_start3A_76] : memref<104x128xi32, #tpu.memory_space<vmem>> -> memref<1x128xi32, #tpu.memory_space<vmem>>
      %dma_start3A_78 = tpu.memref_squeeze %dma_start3A_77 : memref<1x128xi32, #tpu.memory_space<vmem>> -> memref<128xi32, #tpu.memory_space<vmem>>
      %dma_start3A_79 = arith.constant 0 : i32
      %dma_start3A_80 = arith.constant 0 : i32
      %dma_start3A_81 = tpu.memref_slice %arg3[%select_n3A, %dma_start3A_79, %dma_start3A_80] : memref<26x100000x32xf32, #tpu.memory_space<hbm>> -> memref<1x100000x32xf32, #tpu.memory_space<hbm>>
      %dma_start3A_82 = tpu.memref_squeeze %dma_start3A_81 : memref<1x100000x32xf32, #tpu.memory_space<hbm>> -> memref<100000x32xf32, #tpu.memory_space<hbm>>
      %dma_start3A_83 = arith.constant 0 : i32
      %dma_start3A_84 = arith.constant 0 : i32
      %dma_start3A_85 = tpu.memref_slice %dma_start3A_82[%dma_start3A_83, %dma_start3A_84] : memref<100000x32xf32, #tpu.memory_space<hbm>> -> memref<100000x32xf32, #tpu.memory_space<hbm>>
      tpu.enqueue_indirect_dma source(%dma_start3A_85 : memref<100000x32xf32, #tpu.memory_space<hbm>>) target(%arg9 : memref<128x32xf32, #tpu.memory_space<vmem>>) offsets(%dma_start3A_78 : memref<128xi32, #tpu.memory_space<vmem>>) semaphore(%arg11 : memref<!tpu.dma_semaphore, #tpu.memory_space<semaphore_mem>>)
      %jit3A_86 = arith.constant 4 : i32
      %div3A_87 = arith.divsi %mul3A_57, %jit3A_86 : i32
      %sign3A_88 = arith.constant 0 : i32
      %sign3A_89 = arith.cmpi sgt, %mul3A_57, %sign3A_88 : i32
      %sign3A_90 = arith.extui %sign3A_89 : i1 to i32
      %sign3A_91 = arith.constant 0 : i32
      %sign3A_92 = arith.cmpi slt, %mul3A_57, %sign3A_91 : i32
      %sign3A_93 = arith.extui %sign3A_92 : i1 to i32
      %sign3A_94 = arith.subi %sign3A_90, %sign3A_93 : i32
      %sign3A_95 = arith.constant 0 : i32
      %sign3A_96 = arith.cmpi sgt, %jit3A_86, %sign3A_95 : i32
      %sign3A_97 = arith.extui %sign3A_96 : i1 to i32
      %sign3A_98 = arith.constant 0 : i32
      %sign3A_99 = arith.cmpi slt, %jit3A_86, %sign3A_98 : i32
      %sign3A_100 = arith.extui %sign3A_99 : i1 to i32
      %sign3A_101 = arith.subi %sign3A_97, %sign3A_100 : i32
      %ne3A_102 = arith.cmpi ne, %sign3A_94, %sign3A_101 : i32
      %rem3A_103 = arith.remsi %mul3A_57, %jit3A_86 : i32
      %ne3A_104 = arith.constant 0 : i32
      %ne3A_105 = arith.cmpi ne, %rem3A_103, %ne3A_104 : i32
      %and3A_106 = arith.andi %ne3A_102, %ne3A_105 : i1
      %sub3A_107 = arith.constant 1 : i32
      %sub3A_108 = arith.subi %div3A_87, %sub3A_107 : i32
      %select_n3A_109 = arith.select %and3A_106, %sub3A_108, %div3A_87 : i32
      %dma_wait3A = arith.constant 0 : i32
      %dma_wait3A_110 = tpu.memref_slice %arg5[%mul3A_57, %dma_wait3A] : memref<104x128xi32, #tpu.memory_space<vmem>> -> memref<1x128xi32, #tpu.memory_space<vmem>>
      %dma_wait3A_111 = tpu.memref_squeeze %dma_wait3A_110 : memref<1x128xi32, #tpu.memory_space<vmem>> -> memref<128xi32, #tpu.memory_space<vmem>>
      %dma_wait3A_112 = arith.constant 0 : i32
      %dma_wait3A_113 = arith.constant 0 : i32
      %dma_wait3A_114 = tpu.memref_slice %arg3[%select_n3A_109, %dma_wait3A_112, %dma_wait3A_113] : memref<26x100000x32xf32, #tpu.memory_space<hbm>> -> memref<1x100000x32xf32, #tpu.memory_space<hbm>>
      %dma_wait3A_115 = tpu.memref_squeeze %dma_wait3A_114 : memref<1x100000x32xf32, #tpu.memory_space<hbm>> -> memref<100000x32xf32, #tpu.memory_space<hbm>>
      %dma_wait3A_116 = arith.constant 0 : i32
      %dma_wait3A_117 = arith.constant 0 : i32
      %dma_wait3A_118 = tpu.memref_slice %dma_wait3A_115[%dma_wait3A_116, %dma_wait3A_117] : memref<100000x32xf32, #tpu.memory_space<hbm>> -> memref<100000x32xf32, #tpu.memory_space<hbm>>
      tpu.wait_indirect_dma semaphore(%arg11 : memref<!tpu.dma_semaphore, #tpu.memory_space<semaphore_mem>>) src(%dma_wait3A_118 : memref<100000x32xf32, #tpu.memory_space<hbm>>) dst(%arg6 : memref<128x32xf32, #tpu.memory_space<vmem>>)
      %jit3A_119 = arith.constant 4 : i32
      %eq3A = arith.constant 0 : i32
      %eq3A_120 = arith.cmpi eq, %jit3A_119, %eq3A : i32
      %jit3A_121 = arith.constant 1 : i32
      %select_n3A_122 = arith.select %eq3A_120, %jit3A_121, %jit3A_119 : i32
      %rem3A_123 = arith.remsi %mul3A_57, %select_n3A_122 : i32
      %ne3A_124 = arith.constant 0 : i32
      %ne3A_125 = arith.cmpi ne, %rem3A_123, %ne3A_124 : i32
      %lt3A = arith.constant 0 : i32
      %lt3A_126 = arith.cmpi slt, %rem3A_123, %lt3A : i32
      %lt3A_127 = arith.constant 0 : i32
      %lt3A_128 = arith.cmpi slt, %select_n3A_122, %lt3A_127 : i32
      %ne3A_129 = arith.xori %lt3A_126, %lt3A_128 : i1
      %and3A_130 = arith.andi %ne3A_129, %ne3A_125 : i1
      %add3A_131 = arith.addi %rem3A_123, %select_n3A_122 : i32
      %select_n3A_132 = arith.select %and3A_130, %add3A_131, %rem3A_123 : i32
      %mul3A_133 = arith.constant 128 : i32
      %mul3A_134 = arith.muli %select_n3A_132, %mul3A_133 : i32
      %scan3A_135 = arith.constant 0 : i32
      %scan3A_136 = arith.constant 0 : i32
      %scan3A_137 = arith.constant 16 : i32
      %scan3A_138 = arith.addi %scan3A_136, %scan3A_137 : i32
      %scan3A_139 = arith.constant 1 : i32
      %scan3A_140 = scf.for %scan3A_345 = %scan3A_136 to %scan3A_138 step %scan3A_139 iter_args(%scan3A_346 = %scan3A_135) -> (i32)  : i32 {
        %mul3A_347 = arith.constant 8 : i32
        %mul3A_348 = arith.muli %scan3A_345, %mul3A_347 : i32
        %add3A_349 = arith.constant 0 : i32
        %add3A_350 = arith.addi %mul3A_348, %add3A_349 : i32
        %add3A_351 = arith.addi %mul3A_134, %add3A_350 : i32
        %get3A = arith.index_cast %add3A_350 : i32 to index
        %get3A_352 = arith.constant 0 : index
        %get3A_353 = tpu.vector_load %arg6[%get3A, %get3A_352] {strides = array<i32>} : memref<128x32xf32, #tpu.memory_space<vmem>>, vector<1x16xf32>,
        %get3A_354 = vector.shape_cast %get3A_353 : vector<1x16xf32> to vector<16xf32>
        %swap3A = arith.index_cast %add3A_351 : i32 to index
        %swap3A_355 = arith.constant 0 : index
        %swap3A_356 = tpu.vector_load %arg10[%swap3A, %swap3A_355] {strides = array<i32>} : memref<512x32xf32, #tpu.memory_space<vmem>>, vector<1x16xf32>,
        %swap3A_357 = vector.shape_cast %swap3A_356 : vector<1x16xf32> to vector<16xf32>
        %swap3A_358 = vector.shape_cast %get3A_354 : vector<16xf32> to vector<1x16xf32>
        tpu.vector_store %arg10[%swap3A, %swap3A_355], %swap3A_358 {add = true, strides = array<i32>} : memref<512x32xf32, #tpu.memory_space<vmem>>, vector<1x16xf32>,
        %add3A_359 = arith.addi %mul3A_134, %add3A_350 : i32
        %get3A_360 = arith.index_cast %add3A_350 : i32 to index
        %get3A_361 = arith.constant 16 : index
        %get3A_362 = tpu.vector_load %arg6[%get3A_360, %get3A_361] {strides = array<i32>} : memref<128x32xf32, #tpu.memory_space<vmem>>, vector<1x16xf32>,
        %get3A_363 = vector.shape_cast %get3A_362 : vector<1x16xf32> to vector<16xf32>
        %swap3A_364 = arith.index_cast %add3A_359 : i32 to index
        %swap3A_365 = arith.constant 16 : index
        %swap3A_366 = tpu.vector_load %arg10[%swap3A_364, %swap3A_365] {strides = array<i32>} : memref<512x32xf32, #tpu.memory_space<vmem>>, vector<1x16xf32>,
        %swap3A_367 = vector.shape_cast %swap3A_366 : vector<1x16xf32> to vector<16xf32>
        %swap3A_368 = vector.shape_cast %get3A_363 : vector<16xf32> to vector<1x16xf32>
        tpu.vector_store %arg10[%swap3A_364, %swap3A_365], %swap3A_368 {add = true, strides = array<i32>} : memref<512x32xf32, #tpu.memory_space<vmem>>, vector<1x16xf32>,
        %mul3A_369 = arith.constant 8 : i32
        %mul3A_370 = arith.muli %scan3A_345, %mul3A_369 : i32
        %add3A_371 = arith.constant 1 : i32
        %add3A_372 = arith.addi %mul3A_370, %add3A_371 : i32
        %add3A_373 = arith.addi %mul3A_134, %add3A_372 : i32
        %get3A_374 = arith.index_cast %add3A_372 : i32 to index
        %get3A_375 = arith.constant 0 : index
        %get3A_376 = tpu.vector_load %arg6[%get3A_374, %get3A_375] {strides = array<i32>} : memref<128x32xf32, #tpu.memory_space<vmem>>, vector<1x16xf32>,
        %get3A_377 = vector.shape_cast %get3A_376 : vector<1x16xf32> to vector<16xf32>
        %swap3A_378 = arith.index_cast %add3A_373 : i32 to index
        %swap3A_379 = arith.constant 0 : index
        %swap3A_380 = tpu.vector_load %arg10[%swap3A_378, %swap3A_379] {strides = array<i32>} : memref<512x32xf32, #tpu.memory_space<vmem>>, vector<1x16xf32>,
        %swap3A_381 = vector.shape_cast %swap3A_380 : vector<1x16xf32> to vector<16xf32>
        %swap3A_382 = vector.shape_cast %get3A_377 : vector<16xf32> to vector<1x16xf32>
        tpu.vector_store %arg10[%swap3A_378, %swap3A_379], %swap3A_382 {add = true, strides = array<i32>} : memref<512x32xf32, #tpu.memory_space<vmem>>, vector<1x16xf32>,
        %add3A_383 = arith.addi %mul3A_134, %add3A_372 : i32
        %get3A_384 = arith.index_cast %add3A_372 : i32 to index
        %get3A_385 = arith.constant 16 : index
        %get3A_386 = tpu.vector_load %arg6[%get3A_384, %get3A_385] {strides = array<i32>} : memref<128x32xf32, #tpu.memory_space<vmem>>, vector<1x16xf32>,
        %get3A_387 = vector.shape_cast %get3A_386 : vector<1x16xf32> to vector<16xf32>
        %swap3A_388 = arith.index_cast %add3A_383 : i32 to index
        %swap3A_389 = arith.constant 16 : index
        %swap3A_390 = tpu.vector_load %arg10[%swap3A_388, %swap3A_389] {strides = array<i32>} : memref<512x32xf32, #tpu.memory_space<vmem>>, vector<1x16xf32>,
        %swap3A_391 = vector.shape_cast %swap3A_390 : vector<1x16xf32> to vector<16xf32>
        %swap3A_392 = vector.shape_cast %get3A_387 : vector<16xf32> to vector<1x16xf32>
        tpu.vector_store %arg10[%swap3A_388, %swap3A_389], %swap3A_392 {add = true, strides = array<i32>} : memref<512x32xf32, #tpu.memory_space<vmem>>, vector<1x16xf32>,
        %mul3A_393 = arith.constant 8 : i32
        %mul3A_394 = arith.muli %scan3A_345, %mul3A_393 : i32
        %add3A_395 = arith.constant 2 : i32
        %add3A_396 = arith.addi %mul3A_394, %add3A_395 : i32
        %add3A_397 = arith.addi %mul3A_134, %add3A_396 : i32
        %get3A_398 = arith.index_cast %add3A_396 : i32 to index
        %get3A_399 = arith.constant 0 : index
        %get3A_400 = tpu.vector_load %arg6[%get3A_398, %get3A_399] {strides = array<i32>} : memref<128x32xf32, #tpu.memory_space<vmem>>, vector<1x16xf32>,
        %get3A_401 = vector.shape_cast %get3A_400 : vector<1x16xf32> to vector<16xf32>
        %swap3A_402 = arith.index_cast %add3A_397 : i32 to index
        %swap3A_403 = arith.constant 0 : index
        %swap3A_404 = tpu.vector_load %arg10[%swap3A_402, %swap3A_403] {strides = array<i32>} : memref<512x32xf32, #tpu.memory_space<vmem>>, vector<1x16xf32>,
        %swap3A_405 = vector.shape_cast %swap3A_404 : vector<1x16xf32> to vector<16xf32>
        %swap3A_406 = vector.shape_cast %get3A_401 : vector<16xf32> to vector<1x16xf32>
        tpu.vector_store %arg10[%swap3A_402, %swap3A_403], %swap3A_406 {add = true, strides = array<i32>} : memref<512x32xf32, #tpu.memory_space<vmem>>, vector<1x16xf32>,
        %add3A_407 = arith.addi %mul3A_134, %add3A_396 : i32
        %get3A_408 = arith.index_cast %add3A_396 : i32 to index
        %get3A_409 = arith.constant 16 : index
        %get3A_410 = tpu.vector_load %arg6[%get3A_408, %get3A_409] {strides = array<i32>} : memref<128x32xf32, #tpu.memory_space<vmem>>, vector<1x16xf32>,
        %get3A_411 = vector.shape_cast %get3A_410 : vector<1x16xf32> to vector<16xf32>
        %swap3A_412 = arith.index_cast %add3A_407 : i32 to index
        %swap3A_413 = arith.constant 16 : index
        %swap3A_414 = tpu.vector_load %arg10[%swap3A_412, %swap3A_413] {strides = array<i32>} : memref<512x32xf32, #tpu.memory_space<vmem>>, vector<1x16xf32>,
        %swap3A_415 = vector.shape_cast %swap3A_414 : vector<1x16xf32> to vector<16xf32>
        %swap3A_416 = vector.shape_cast %get3A_411 : vector<16xf32> to vector<1x16xf32>
        tpu.vector_store %arg10[%swap3A_412, %swap3A_413], %swap3A_416 {add = true, strides = array<i32>} : memref<512x32xf32, #tpu.memory_space<vmem>>, vector<1x16xf32>,
        %mul3A_417 = arith.constant 8 : i32
        %mul3A_418 = arith.muli %scan3A_345, %mul3A_417 : i32
        %add3A_419 = arith.constant 3 : i32
        %add3A_420 = arith.addi %mul3A_418, %add3A_419 : i32
        %add3A_421 = arith.addi %mul3A_134, %add3A_420 : i32
        %get3A_422 = arith.index_cast %add3A_420 : i32 to index
        %get3A_423 = arith.constant 0 : index
        %get3A_424 = tpu.vector_load %arg6[%get3A_422, %get3A_423] {strides = array<i32>} : memref<128x32xf32, #tpu.memory_space<vmem>>, vector<1x16xf32>,
        %get3A_425 = vector.shape_cast %get3A_424 : vector<1x16xf32> to vector<16xf32>
        %swap3A_426 = arith.index_cast %add3A_421 : i32 to index
        %swap3A_427 = arith.constant 0 : index
        %swap3A_428 = tpu.vector_load %arg10[%swap3A_426, %swap3A_427] {strides = array<i32>} : memref<512x32xf32, #tpu.memory_space<vmem>>, vector<1x16xf32>,
        %swap3A_429 = vector.shape_cast %swap3A_428 : vector<1x16xf32> to vector<16xf32>
        %swap3A_430 = vector.shape_cast %get3A_425 : vector<16xf32> to vector<1x16xf32>
        tpu.vector_store %arg10[%swap3A_426, %swap3A_427], %swap3A_430 {add = true, strides = array<i32>} : memref<512x32xf32, #tpu.memory_space<vmem>>, vector<1x16xf32>,
        %add3A_431 = arith.addi %mul3A_134, %add3A_420 : i32
        %get3A_432 = arith.index_cast %add3A_420 : i32 to index
        %get3A_433 = arith.constant 16 : index
        %get3A_434 = tpu.vector_load %arg6[%get3A_432, %get3A_433] {strides = array<i32>} : memref<128x32xf32, #tpu.memory_space<vmem>>, vector<1x16xf32>,
        %get3A_435 = vector.shape_cast %get3A_434 : vector<1x16xf32> to vector<16xf32>
        %swap3A_436 = arith.index_cast %add3A_431 : i32 to index
        %swap3A_437 = arith.constant 16 : index
        %swap3A_438 = tpu.vector_load %arg10[%swap3A_436, %swap3A_437] {strides = array<i32>} : memref<512x32xf32, #tpu.memory_space<vmem>>, vector<1x16xf32>,
        %swap3A_439 = vector.shape_cast %swap3A_438 : vector<1x16xf32> to vector<16xf32>
        %swap3A_440 = vector.shape_cast %get3A_435 : vector<16xf32> to vector<1x16xf32>
        tpu.vector_store %arg10[%swap3A_436, %swap3A_437], %swap3A_440 {add = true, strides = array<i32>} : memref<512x32xf32, #tpu.memory_space<vmem>>, vector<1x16xf32>,
        %mul3A_441 = arith.constant 8 : i32
        %mul3A_442 = arith.muli %scan3A_345, %mul3A_441 : i32
        %add3A_443 = arith.constant 4 : i32
        %add3A_444 = arith.addi %mul3A_442, %add3A_443 : i32
        %add3A_445 = arith.addi %mul3A_134, %add3A_444 : i32
        %get3A_446 = arith.index_cast %add3A_444 : i32 to index
        %get3A_447 = arith.constant 0 : index
        %get3A_448 = tpu.vector_load %arg6[%get3A_446, %get3A_447] {strides = array<i32>} : memref<128x32xf32, #tpu.memory_space<vmem>>, vector<1x16xf32>,
        %get3A_449 = vector.shape_cast %get3A_448 : vector<1x16xf32> to vector<16xf32>
        %swap3A_450 = arith.index_cast %add3A_445 : i32 to index
        %swap3A_451 = arith.constant 0 : index
        %swap3A_452 = tpu.vector_load %arg10[%swap3A_450, %swap3A_451] {strides = array<i32>} : memref<512x32xf32, #tpu.memory_space<vmem>>, vector<1x16xf32>,
        %swap3A_453 = vector.shape_cast %swap3A_452 : vector<1x16xf32> to vector<16xf32>
        %swap3A_454 = vector.shape_cast %get3A_449 : vector<16xf32> to vector<1x16xf32>
        tpu.vector_store %arg10[%swap3A_450, %swap3A_451], %swap3A_454 {add = true, strides = array<i32>} : memref<512x32xf32, #tpu.memory_space<vmem>>, vector<1x16xf32>,
        %add3A_455 = arith.addi %mul3A_134, %add3A_444 : i32
        %get3A_456 = arith.index_cast %add3A_444 : i32 to index
        %get3A_457 = arith.constant 16 : index
        %get3A_458 = tpu.vector_load %arg6[%get3A_456, %get3A_457] {strides = array<i32>} : memref<128x32xf32, #tpu.memory_space<vmem>>, vector<1x16xf32>,
        %get3A_459 = vector.shape_cast %get3A_458 : vector<1x16xf32> to vector<16xf32>
        %swap3A_460 = arith.index_cast %add3A_455 : i32 to index
        %swap3A_461 = arith.constant 16 : index
        %swap3A_462 = tpu.vector_load %arg10[%swap3A_460, %swap3A_461] {strides = array<i32>} : memref<512x32xf32, #tpu.memory_space<vmem>>, vector<1x16xf32>,
        %swap3A_463 = vector.shape_cast %swap3A_462 : vector<1x16xf32> to vector<16xf32>
        %swap3A_464 = vector.shape_cast %get3A_459 : vector<16xf32> to vector<1x16xf32>
        tpu.vector_store %arg10[%swap3A_460, %swap3A_461], %swap3A_464 {add = true, strides = array<i32>} : memref<512x32xf32, #tpu.memory_space<vmem>>, vector<1x16xf32>,
        %mul3A_465 = arith.constant 8 : i32
        %mul3A_466 = arith.muli %scan3A_345, %mul3A_465 : i32
        %add3A_467 = arith.constant 5 : i32
        %add3A_468 = arith.addi %mul3A_466, %add3A_467 : i32
        %add3A_469 = arith.addi %mul3A_134, %add3A_468 : i32
        %get3A_470 = arith.index_cast %add3A_468 : i32 to index
        %get3A_471 = arith.constant 0 : index
        %get3A_472 = tpu.vector_load %arg6[%get3A_470, %get3A_471] {strides = array<i32>} : memref<128x32xf32, #tpu.memory_space<vmem>>, vector<1x16xf32>,
        %get3A_473 = vector.shape_cast %get3A_472 : vector<1x16xf32> to vector<16xf32>
        %swap3A_474 = arith.index_cast %add3A_469 : i32 to index
        %swap3A_475 = arith.constant 0 : index
        %swap3A_476 = tpu.vector_load %arg10[%swap3A_474, %swap3A_475] {strides = array<i32>} : memref<512x32xf32, #tpu.memory_space<vmem>>, vector<1x16xf32>,
        %swap3A_477 = vector.shape_cast %swap3A_476 : vector<1x16xf32> to vector<16xf32>
        %swap3A_478 = vector.shape_cast %get3A_473 : vector<16xf32> to vector<1x16xf32>
        tpu.vector_store %arg10[%swap3A_474, %swap3A_475], %swap3A_478 {add = true, strides = array<i32>} : memref<512x32xf32, #tpu.memory_space<vmem>>, vector<1x16xf32>,
        %add3A_479 = arith.addi %mul3A_134, %add3A_468 : i32
        %get3A_480 = arith.index_cast %add3A_468 : i32 to index
        %get3A_481 = arith.constant 16 : index
        %get3A_482 = tpu.vector_load %arg6[%get3A_480, %get3A_481] {strides = array<i32>} : memref<128x32xf32, #tpu.memory_space<vmem>>, vector<1x16xf32>,
        %get3A_483 = vector.shape_cast %get3A_482 : vector<1x16xf32> to vector<16xf32>
        %swap3A_484 = arith.index_cast %add3A_479 : i32 to index
        %swap3A_485 = arith.constant 16 : index
        %swap3A_486 = tpu.vector_load %arg10[%swap3A_484, %swap3A_485] {strides = array<i32>} : memref<512x32xf32, #tpu.memory_space<vmem>>, vector<1x16xf32>,
        %swap3A_487 = vector.shape_cast %swap3A_486 : vector<1x16xf32> to vector<16xf32>
        %swap3A_488 = vector.shape_cast %get3A_483 : vector<16xf32> to vector<1x16xf32>
        tpu.vector_store %arg10[%swap3A_484, %swap3A_485], %swap3A_488 {add = true, strides = array<i32>} : memref<512x32xf32, #tpu.memory_space<vmem>>, vector<1x16xf32>,
        %mul3A_489 = arith.constant 8 : i32
        %mul3A_490 = arith.muli %scan3A_345, %mul3A_489 : i32
        %add3A_491 = arith.constant 6 : i32
        %add3A_492 = arith.addi %mul3A_490, %add3A_491 : i32
        %add3A_493 = arith.addi %mul3A_134, %add3A_492 : i32
        %get3A_494 = arith.index_cast %add3A_492 : i32 to index
        %get3A_495 = arith.constant 0 : index
        %get3A_496 = tpu.vector_load %arg6[%get3A_494, %get3A_495] {strides = array<i32>} : memref<128x32xf32, #tpu.memory_space<vmem>>, vector<1x16xf32>,
        %get3A_497 = vector.shape_cast %get3A_496 : vector<1x16xf32> to vector<16xf32>
        %swap3A_498 = arith.index_cast %add3A_493 : i32 to index
        %swap3A_499 = arith.constant 0 : index
        %swap3A_500 = tpu.vector_load %arg10[%swap3A_498, %swap3A_499] {strides = array<i32>} : memref<512x32xf32, #tpu.memory_space<vmem>>, vector<1x16xf32>,
        %swap3A_501 = vector.shape_cast %swap3A_500 : vector<1x16xf32> to vector<16xf32>
        %swap3A_502 = vector.shape_cast %get3A_497 : vector<16xf32> to vector<1x16xf32>
        tpu.vector_store %arg10[%swap3A_498, %swap3A_499], %swap3A_502 {add = true, strides = array<i32>} : memref<512x32xf32, #tpu.memory_space<vmem>>, vector<1x16xf32>,
        %add3A_503 = arith.addi %mul3A_134, %add3A_492 : i32
        %get3A_504 = arith.index_cast %add3A_492 : i32 to index
        %get3A_505 = arith.constant 16 : index
        %get3A_506 = tpu.vector_load %arg6[%get3A_504, %get3A_505] {strides = array<i32>} : memref<128x32xf32, #tpu.memory_space<vmem>>, vector<1x16xf32>,
        %get3A_507 = vector.shape_cast %get3A_506 : vector<1x16xf32> to vector<16xf32>
        %swap3A_508 = arith.index_cast %add3A_503 : i32 to index
        %swap3A_509 = arith.constant 16 : index
        %swap3A_510 = tpu.vector_load %arg10[%swap3A_508, %swap3A_509] {strides = array<i32>} : memref<512x32xf32, #tpu.memory_space<vmem>>, vector<1x16xf32>,
        %swap3A_511 = vector.shape_cast %swap3A_510 : vector<1x16xf32> to vector<16xf32>
        %swap3A_512 = vector.shape_cast %get3A_507 : vector<16xf32> to vector<1x16xf32>
        tpu.vector_store %arg10[%swap3A_508, %swap3A_509], %swap3A_512 {add = true, strides = array<i32>} : memref<512x32xf32, #tpu.memory_space<vmem>>, vector<1x16xf32>,
        %mul3A_513 = arith.constant 8 : i32
        %mul3A_514 = arith.muli %scan3A_345, %mul3A_513 : i32
        %add3A_515 = arith.constant 7 : i32
        %add3A_516 = arith.addi %mul3A_514, %add3A_515 : i32
        %add3A_517 = arith.addi %mul3A_134, %add3A_516 : i32
        %get3A_518 = arith.index_cast %add3A_516 : i32 to index
        %get3A_519 = arith.constant 0 : index
        %get3A_520 = tpu.vector_load %arg6[%get3A_518, %get3A_519] {strides = array<i32>} : memref<128x32xf32, #tpu.memory_space<vmem>>, vector<1x16xf32>,
        %get3A_521 = vector.shape_cast %get3A_520 : vector<1x16xf32> to vector<16xf32>
        %swap3A_522 = arith.index_cast %add3A_517 : i32 to index
        %swap3A_523 = arith.constant 0 : index
        %swap3A_524 = tpu.vector_load %arg10[%swap3A_522, %swap3A_523] {strides = array<i32>} : memref<512x32xf32, #tpu.memory_space<vmem>>, vector<1x16xf32>,
        %swap3A_525 = vector.shape_cast %swap3A_524 : vector<1x16xf32> to vector<16xf32>
        %swap3A_526 = vector.shape_cast %get3A_521 : vector<16xf32> to vector<1x16xf32>
        tpu.vector_store %arg10[%swap3A_522, %swap3A_523], %swap3A_526 {add = true, strides = array<i32>} : memref<512x32xf32, #tpu.memory_space<vmem>>, vector<1x16xf32>,
        %add3A_527 = arith.addi %mul3A_134, %add3A_516 : i32
        %get3A_528 = arith.index_cast %add3A_516 : i32 to index
        %get3A_529 = arith.constant 16 : index
        %get3A_530 = tpu.vector_load %arg6[%get3A_528, %get3A_529] {strides = array<i32>} : memref<128x32xf32, #tpu.memory_space<vmem>>, vector<1x16xf32>,
        %get3A_531 = vector.shape_cast %get3A_530 : vector<1x16xf32> to vector<16xf32>
        %swap3A_532 = arith.index_cast %add3A_527 : i32 to index
        %swap3A_533 = arith.constant 16 : index
        %swap3A_534 = tpu.vector_load %arg10[%swap3A_532, %swap3A_533] {strides = array<i32>} : memref<512x32xf32, #tpu.memory_space<vmem>>, vector<1x16xf32>,
        %swap3A_535 = vector.shape_cast %swap3A_534 : vector<1x16xf32> to vector<16xf32>
        %swap3A_536 = vector.shape_cast %get3A_531 : vector<16xf32> to vector<1x16xf32>
        tpu.vector_store %arg10[%swap3A_532, %swap3A_533], %swap3A_536 {add = true, strides = array<i32>} : memref<512x32xf32, #tpu.memory_space<vmem>>, vector<1x16xf32>,
        %scan3A_537 = arith.constant 0 : i32
        scf.yield %scan3A_537 : i32
      }
      %scan3A_141 = arith.constant 16 : i32
      %lt3A_142 = arith.constant 25 : i32
      %lt3A_143 = arith.cmpi slt, %scan3A_54, %lt3A_142 : i32
      %convert_element_type3A = arith.extui %lt3A_143 : i1 to i32
      %cond3A = arith.constant 0 : i32
      %cond3A_144 = arith.cmpi ne, %convert_element_type3A, %cond3A : i32
      scf.if %cond3A_144 {
        %add3A_345 = arith.constant 4 : i32
        %add3A_346 = arith.addi %mul3A_57, %add3A_345 : i32
        %jit3A_347 = arith.constant 4 : i32
        %div3A_348 = arith.divsi %add3A_346, %jit3A_347 : i32
        %sign3A_349 = arith.constant 0 : i32
        %sign3A_350 = arith.cmpi sgt, %add3A_346, %sign3A_349 : i32
        %sign3A_351 = arith.extui %sign3A_350 : i1 to i32
        %sign3A_352 = arith.constant 0 : i32
        %sign3A_353 = arith.cmpi slt, %add3A_346, %sign3A_352 : i32
        %sign3A_354 = arith.extui %sign3A_353 : i1 to i32
        %sign3A_355 = arith.subi %sign3A_351, %sign3A_354 : i32
        %sign3A_356 = arith.constant 0 : i32
        %sign3A_357 = arith.cmpi sgt, %jit3A_347, %sign3A_356 : i32
        %sign3A_358 = arith.extui %sign3A_357 : i1 to i32
        %sign3A_359 = arith.constant 0 : i32
        %sign3A_360 = arith.cmpi slt, %jit3A_347, %sign3A_359 : i32
        %sign3A_361 = arith.extui %sign3A_360 : i1 to i32
        %sign3A_362 = arith.subi %sign3A_358, %sign3A_361 : i32
        %ne3A_363 = arith.cmpi ne, %sign3A_355, %sign3A_362 : i32
        %rem3A_364 = arith.remsi %add3A_346, %jit3A_347 : i32
        %ne3A_365 = arith.constant 0 : i32
        %ne3A_366 = arith.cmpi ne, %rem3A_364, %ne3A_365 : i32
        %and3A_367 = arith.andi %ne3A_363, %ne3A_366 : i1
        %sub3A_368 = arith.constant 1 : i32
        %sub3A_369 = arith.subi %div3A_348, %sub3A_368 : i32
        %select_n3A_370 = arith.select %and3A_367, %sub3A_369, %div3A_348 : i32
        %dma_start3A_371 = arith.constant 0 : i32
        %dma_start3A_372 = tpu.memref_slice %arg5[%add3A_346, %dma_start3A_371] : memref<104x128xi32, #tpu.memory_space<vmem>> -> memref<1x128xi32, #tpu.memory_space<vmem>>
        %dma_start3A_373 = tpu.memref_squeeze %dma_start3A_372 : memref<1x128xi32, #tpu.memory_space<vmem>> -> memref<128xi32, #tpu.memory_space<vmem>>
        %dma_start3A_374 = arith.constant 0 : i32
        %dma_start3A_375 = arith.constant 0 : i32
        %dma_start3A_376 = tpu.memref_slice %arg3[%select_n3A_370, %dma_start3A_374, %dma_start3A_375] : memref<26x100000x32xf32, #tpu.memory_space<hbm>> -> memref<1x100000x32xf32, #tpu.memory_space<hbm>>
        %dma_start3A_377 = tpu.memref_squeeze %dma_start3A_376 : memref<1x100000x32xf32, #tpu.memory_space<hbm>> -> memref<100000x32xf32, #tpu.memory_space<hbm>>
        %dma_start3A_378 = arith.constant 0 : i32
        %dma_start3A_379 = arith.constant 0 : i32
        %dma_start3A_380 = tpu.memref_slice %dma_start3A_377[%dma_start3A_378, %dma_start3A_379] : memref<100000x32xf32, #tpu.memory_space<hbm>> -> memref<100000x32xf32, #tpu.memory_space<hbm>>
        tpu.enqueue_indirect_dma source(%dma_start3A_380 : memref<100000x32xf32, #tpu.memory_space<hbm>>) target(%arg6 : memref<128x32xf32, #tpu.memory_space<vmem>>) offsets(%dma_start3A_373 : memref<128xi32, #tpu.memory_space<vmem>>) semaphore(%arg11 : memref<!tpu.dma_semaphore, #tpu.memory_space<semaphore_mem>>)
      } else {
      }
      %add3A_145 = arith.constant 1 : i32
      %add3A_146 = arith.addi %mul3A_57, %add3A_145 : i32
      %jit3A_147 = arith.constant 4 : i32
      %div3A_148 = arith.divsi %add3A_146, %jit3A_147 : i32
      %sign3A_149 = arith.constant 0 : i32
      %sign3A_150 = arith.cmpi sgt, %add3A_146, %sign3A_149 : i32
      %sign3A_151 = arith.extui %sign3A_150 : i1 to i32
      %sign3A_152 = arith.constant 0 : i32
      %sign3A_153 = arith.cmpi slt, %add3A_146, %sign3A_152 : i32
      %sign3A_154 = arith.extui %sign3A_153 : i1 to i32
      %sign3A_155 = arith.subi %sign3A_151, %sign3A_154 : i32
      %sign3A_156 = arith.constant 0 : i32
      %sign3A_157 = arith.cmpi sgt, %jit3A_147, %sign3A_156 : i32
      %sign3A_158 = arith.extui %sign3A_157 : i1 to i32
      %sign3A_159 = arith.constant 0 : i32
      %sign3A_160 = arith.cmpi slt, %jit3A_147, %sign3A_159 : i32
      %sign3A_161 = arith.extui %sign3A_160 : i1 to i32
      %sign3A_162 = arith.subi %sign3A_158, %sign3A_161 : i32
      %ne3A_163 = arith.cmpi ne, %sign3A_155, %sign3A_162 : i32
      %rem3A_164 = arith.remsi %add3A_146, %jit3A_147 : i32
      %ne3A_165 = arith.constant 0 : i32
      %ne3A_166 = arith.cmpi ne, %rem3A_164, %ne3A_165 : i32
      %and3A_167 = arith.andi %ne3A_163, %ne3A_166 : i1
      %sub3A_168 = arith.constant 1 : i32
      %sub3A_169 = arith.subi %div3A_148, %sub3A_168 : i32
      %select_n3A_170 = arith.select %and3A_167, %sub3A_169, %div3A_148 : i32
      %dma_wait3A_171 = arith.constant 0 : i32
      %dma_wait3A_172 = tpu.memref_slice %arg5[%add3A_146, %dma_wait3A_171] : memref<104x128xi32, #tpu.memory_space<vmem>> -> memref<1x128xi32, #tpu.memory_space<vmem>>
      %dma_wait3A_173 = tpu.memref_squeeze %dma_wait3A_172 : memref<1x128xi32, #tpu.memory_space<vmem>> -> memref<128xi32, #tpu.memory_space<vmem>>
      %dma_wait3A_174 = arith.constant 0 : i32
      %dma_wait3A_175 = arith.constant 0 : i32
      %dma_wait3A_176 = tpu.memref_slice %arg3[%select_n3A_170, %dma_wait3A_174, %dma_wait3A_175] : memref<26x100000x32xf32, #tpu.memory_space<hbm>> -> memref<1x100000x32xf32, #tpu.memory_space<hbm>>
      %dma_wait3A_177 = tpu.memref_squeeze %dma_wait3A_176 : memref<1x100000x32xf32, #tpu.memory_space<hbm>> -> memref<100000x32xf32, #tpu.memory_space<hbm>>
      %dma_wait3A_178 = arith.constant 0 : i32
      %dma_wait3A_179 = arith.constant 0 : i32
      %dma_wait3A_180 = tpu.memref_slice %dma_wait3A_177[%dma_wait3A_178, %dma_wait3A_179] : memref<100000x32xf32, #tpu.memory_space<hbm>> -> memref<100000x32xf32, #tpu.memory_space<hbm>>
      tpu.wait_indirect_dma semaphore(%arg11 : memref<!tpu.dma_semaphore, #tpu.memory_space<semaphore_mem>>) src(%dma_wait3A_180 : memref<100000x32xf32, #tpu.memory_space<hbm>>) dst(%arg7 : memref<128x32xf32, #tpu.memory_space<vmem>>)
      %add3A_181 = arith.constant 1 : i32
      %add3A_182 = arith.addi %mul3A_57, %add3A_181 : i32
      %jit3A_183 = arith.constant 4 : i32
      %eq3A_184 = arith.constant 0 : i32
      %eq3A_185 = arith.cmpi eq, %jit3A_183, %eq3A_184 : i32
      %jit3A_186 = arith.constant 1 : i32
      %select_n3A_187 = arith.select %eq3A_185, %jit3A_186, %jit3A_183 : i32
      %rem3A_188 = arith.remsi %add3A_182, %select_n3A_187 : i32
      %ne3A_189 = arith.constant 0 : i32
      %ne3A_190 = arith.cmpi ne, %rem3A_188, %ne3A_189 : i32
      %lt3A_191 = arith.constant 0 : i32
      %lt3A_192 = arith.cmpi slt, %rem3A_188, %lt3A_191 : i32
      %lt3A_193 = arith.constant 0 : i32
      %lt3A_194 = arith.cmpi slt, %select_n3A_187, %lt3A_193 : i32
      %ne3A_195 = arith.xori %lt3A_192, %lt3A_194 : i1
      %and3A_196 = arith.andi %ne3A_195, %ne3A_190 : i1
      %add3A_197 = arith.addi %rem3A_188, %select_n3A_187 : i32
      %select_n3A_198 = arith.select %and3A_196, %add3A_197, %rem3A_188 : i32
      %mul3A_199 = arith.constant 128 : i32
      %mul3A_200 = arith.muli %select_n3A_198, %mul3A_199 : i32
      %scan3A_201 = arith.constant 0 : i32
      %scan3A_202 = arith.constant 0 : i32
      %scan3A_203 = arith.constant 16 : i32
      %scan3A_204 = arith.addi %scan3A_202, %scan3A_203 : i32
      %scan3A_205 = arith.constant 1 : i32
      %scan3A_206 = scf.for %scan3A_345 = %scan3A_202 to %scan3A_204 step %scan3A_205 iter_args(%scan3A_346 = %scan3A_201) -> (i32)  : i32 {
        %mul3A_347 = arith.constant 8 : i32
        %mul3A_348 = arith.muli %scan3A_345, %mul3A_347 : i32
        %add3A_349 = arith.constant 0 : i32
        %add3A_350 = arith.addi %mul3A_348, %add3A_349 : i32
        %add3A_351 = arith.addi %mul3A_200, %add3A_350 : i32
        %get3A = arith.index_cast %add3A_350 : i32 to index
        %get3A_352 = arith.constant 0 : index
        %get3A_353 = tpu.vector_load %arg7[%get3A, %get3A_352] {strides = array<i32>} : memref<128x32xf32, #tpu.memory_space<vmem>>, vector<1x16xf32>,
        %get3A_354 = vector.shape_cast %get3A_353 : vector<1x16xf32> to vector<16xf32>
        %swap3A = arith.index_cast %add3A_351 : i32 to index
        %swap3A_355 = arith.constant 0 : index
        %swap3A_356 = tpu.vector_load %arg10[%swap3A, %swap3A_355] {strides = array<i32>} : memref<512x32xf32, #tpu.memory_space<vmem>>, vector<1x16xf32>,
        %swap3A_357 = vector.shape_cast %swap3A_356 : vector<1x16xf32> to vector<16xf32>
        %swap3A_358 = vector.shape_cast %get3A_354 : vector<16xf32> to vector<1x16xf32>
        tpu.vector_store %arg10[%swap3A, %swap3A_355], %swap3A_358 {add = true, strides = array<i32>} : memref<512x32xf32, #tpu.memory_space<vmem>>, vector<1x16xf32>,
        %add3A_359 = arith.addi %mul3A_200, %add3A_350 : i32
        %get3A_360 = arith.index_cast %add3A_350 : i32 to index
        %get3A_361 = arith.constant 16 : index
        %get3A_362 = tpu.vector_load %arg7[%get3A_360, %get3A_361] {strides = array<i32>} : memref<128x32xf32, #tpu.memory_space<vmem>>, vector<1x16xf32>,
        %get3A_363 = vector.shape_cast %get3A_362 : vector<1x16xf32> to vector<16xf32>
        %swap3A_364 = arith.index_cast %add3A_359 : i32 to index
        %swap3A_365 = arith.constant 16 : index
        %swap3A_366 = tpu.vector_load %arg10[%swap3A_364, %swap3A_365] {strides = array<i32>} : memref<512x32xf32, #tpu.memory_space<vmem>>, vector<1x16xf32>,
        %swap3A_367 = vector.shape_cast %swap3A_366 : vector<1x16xf32> to vector<16xf32>
        %swap3A_368 = vector.shape_cast %get3A_363 : vector<16xf32> to vector<1x16xf32>
        tpu.vector_store %arg10[%swap3A_364, %swap3A_365], %swap3A_368 {add = true, strides = array<i32>} : memref<512x32xf32, #tpu.memory_space<vmem>>, vector<1x16xf32>,
        %mul3A_369 = arith.constant 8 : i32
        %mul3A_370 = arith.muli %scan3A_345, %mul3A_369 : i32
        %add3A_371 = arith.constant 1 : i32
        %add3A_372 = arith.addi %mul3A_370, %add3A_371 : i32
        %add3A_373 = arith.addi %mul3A_200, %add3A_372 : i32
        %get3A_374 = arith.index_cast %add3A_372 : i32 to index
        %get3A_375 = arith.constant 0 : index
        %get3A_376 = tpu.vector_load %arg7[%get3A_374, %get3A_375] {strides = array<i32>} : memref<128x32xf32, #tpu.memory_space<vmem>>, vector<1x16xf32>,
        %get3A_377 = vector.shape_cast %get3A_376 : vector<1x16xf32> to vector<16xf32>
        %swap3A_378 = arith.index_cast %add3A_373 : i32 to index
        %swap3A_379 = arith.constant 0 : index
        %swap3A_380 = tpu.vector_load %arg10[%swap3A_378, %swap3A_379] {strides = array<i32>} : memref<512x32xf32, #tpu.memory_space<vmem>>, vector<1x16xf32>,
        %swap3A_381 = vector.shape_cast %swap3A_380 : vector<1x16xf32> to vector<16xf32>
        %swap3A_382 = vector.shape_cast %get3A_377 : vector<16xf32> to vector<1x16xf32>
        tpu.vector_store %arg10[%swap3A_378, %swap3A_379], %swap3A_382 {add = true, strides = array<i32>} : memref<512x32xf32, #tpu.memory_space<vmem>>, vector<1x16xf32>,
        %add3A_383 = arith.addi %mul3A_200, %add3A_372 : i32
        %get3A_384 = arith.index_cast %add3A_372 : i32 to index
        %get3A_385 = arith.constant 16 : index
        %get3A_386 = tpu.vector_load %arg7[%get3A_384, %get3A_385] {strides = array<i32>} : memref<128x32xf32, #tpu.memory_space<vmem>>, vector<1x16xf32>,
        %get3A_387 = vector.shape_cast %get3A_386 : vector<1x16xf32> to vector<16xf32>
        %swap3A_388 = arith.index_cast %add3A_383 : i32 to index
        %swap3A_389 = arith.constant 16 : index
        %swap3A_390 = tpu.vector_load %arg10[%swap3A_388, %swap3A_389] {strides = array<i32>} : memref<512x32xf32, #tpu.memory_space<vmem>>, vector<1x16xf32>,
        %swap3A_391 = vector.shape_cast %swap3A_390 : vector<1x16xf32> to vector<16xf32>
        %swap3A_392 = vector.shape_cast %get3A_387 : vector<16xf32> to vector<1x16xf32>
        tpu.vector_store %arg10[%swap3A_388, %swap3A_389], %swap3A_392 {add = true, strides = array<i32>} : memref<512x32xf32, #tpu.memory_space<vmem>>, vector<1x16xf32>,
        %mul3A_393 = arith.constant 8 : i32
        %mul3A_394 = arith.muli %scan3A_345, %mul3A_393 : i32
        %add3A_395 = arith.constant 2 : i32
        %add3A_396 = arith.addi %mul3A_394, %add3A_395 : i32
        %add3A_397 = arith.addi %mul3A_200, %add3A_396 : i32
        %get3A_398 = arith.index_cast %add3A_396 : i32 to index
        %get3A_399 = arith.constant 0 : index
        %get3A_400 = tpu.vector_load %arg7[%get3A_398, %get3A_399] {strides = array<i32>} : memref<128x32xf32, #tpu.memory_space<vmem>>, vector<1x16xf32>,
        %get3A_401 = vector.shape_cast %get3A_400 : vector<1x16xf32> to vector<16xf32>
        %swap3A_402 = arith.index_cast %add3A_397 : i32 to index
        %swap3A_403 = arith.constant 0 : index
        %swap3A_404 = tpu.vector_load %arg10[%swap3A_402, %swap3A_403] {strides = array<i32>} : memref<512x32xf32, #tpu.memory_space<vmem>>, vector<1x16xf32>,
        %swap3A_405 = vector.shape_cast %swap3A_404 : vector<1x16xf32> to vector<16xf32>
        %swap3A_406 = vector.shape_cast %get3A_401 : vector<16xf32> to vector<1x16xf32>
        tpu.vector_store %arg10[%swap3A_402, %swap3A_403], %swap3A_406 {add = true, strides = array<i32>} : memref<512x32xf32, #tpu.memory_space<vmem>>, vector<1x16xf32>,
        %add3A_407 = arith.addi %mul3A_200, %add3A_396 : i32
        %get3A_408 = arith.index_cast %add3A_396 : i32 to index
        %get3A_409 = arith.constant 16 : index
        %get3A_410 = tpu.vector_load %arg7[%get3A_408, %get3A_409] {strides = array<i32>} : memref<128x32xf32, #tpu.memory_space<vmem>>, vector<1x16xf32>,
        %get3A_411 = vector.shape_cast %get3A_410 : vector<1x16xf32> to vector<16xf32>
        %swap3A_412 = arith.index_cast %add3A_407 : i32 to index
        %swap3A_413 = arith.constant 16 : index
        %swap3A_414 = tpu.vector_load %arg10[%swap3A_412, %swap3A_413] {strides = array<i32>} : memref<512x32xf32, #tpu.memory_space<vmem>>, vector<1x16xf32>,
        %swap3A_415 = vector.shape_cast %swap3A_414 : vector<1x16xf32> to vector<16xf32>
        %swap3A_416 = vector.shape_cast %get3A_411 : vector<16xf32> to vector<1x16xf32>
        tpu.vector_store %arg10[%swap3A_412, %swap3A_413], %swap3A_416 {add = true, strides = array<i32>} : memref<512x32xf32, #tpu.memory_space<vmem>>, vector<1x16xf32>,
        %mul3A_417 = arith.constant 8 : i32
        %mul3A_418 = arith.muli %scan3A_345, %mul3A_417 : i32
        %add3A_419 = arith.constant 3 : i32
        %add3A_420 = arith.addi %mul3A_418, %add3A_419 : i32
        %add3A_421 = arith.addi %mul3A_200, %add3A_420 : i32
        %get3A_422 = arith.index_cast %add3A_420 : i32 to index
        %get3A_423 = arith.constant 0 : index
        %get3A_424 = tpu.vector_load %arg7[%get3A_422, %get3A_423] {strides = array<i32>} : memref<128x32xf32, #tpu.memory_space<vmem>>, vector<1x16xf32>,
        %get3A_425 = vector.shape_cast %get3A_424 : vector<1x16xf32> to vector<16xf32>
        %swap3A_426 = arith.index_cast %add3A_421 : i32 to index
        %swap3A_427 = arith.constant 0 : index
        %swap3A_428 = tpu.vector_load %arg10[%swap3A_426, %swap3A_427] {strides = array<i32>} : memref<512x32xf32, #tpu.memory_space<vmem>>, vector<1x16xf32>,
        %swap3A_429 = vector.shape_cast %swap3A_428 : vector<1x16xf32> to vector<16xf32>
        %swap3A_430 = vector.shape_cast %get3A_425 : vector<16xf32> to vector<1x16xf32>
        tpu.vector_store %arg10[%swap3A_426, %swap3A_427], %swap3A_430 {add = true, strides = array<i32>} : memref<512x32xf32, #tpu.memory_space<vmem>>, vector<1x16xf32>,
        %add3A_431 = arith.addi %mul3A_200, %add3A_420 : i32
        %get3A_432 = arith.index_cast %add3A_420 : i32 to index
        %get3A_433 = arith.constant 16 : index
        %get3A_434 = tpu.vector_load %arg7[%get3A_432, %get3A_433] {strides = array<i32>} : memref<128x32xf32, #tpu.memory_space<vmem>>, vector<1x16xf32>,
        %get3A_435 = vector.shape_cast %get3A_434 : vector<1x16xf32> to vector<16xf32>
        %swap3A_436 = arith.index_cast %add3A_431 : i32 to index
        %swap3A_437 = arith.constant 16 : index
        %swap3A_438 = tpu.vector_load %arg10[%swap3A_436, %swap3A_437] {strides = array<i32>} : memref<512x32xf32, #tpu.memory_space<vmem>>, vector<1x16xf32>,
        %swap3A_439 = vector.shape_cast %swap3A_438 : vector<1x16xf32> to vector<16xf32>
        %swap3A_440 = vector.shape_cast %get3A_435 : vector<16xf32> to vector<1x16xf32>
        tpu.vector_store %arg10[%swap3A_436, %swap3A_437], %swap3A_440 {add = true, strides = array<i32>} : memref<512x32xf32, #tpu.memory_space<vmem>>, vector<1x16xf32>,
        %mul3A_441 = arith.constant 8 : i32
        %mul3A_442 = arith.muli %scan3A_345, %mul3A_441 : i32
        %add3A_443 = arith.constant 4 : i32
        %add3A_444 = arith.addi %mul3A_442, %add3A_443 : i32
        %add3A_445 = arith.addi %mul3A_200, %add3A_444 : i32
        %get3A_446 = arith.index_cast %add3A_444 : i32 to index
        %get3A_447 = arith.constant 0 : index
        %get3A_448 = tpu.vector_load %arg7[%get3A_446, %get3A_447] {strides = array<i32>} : memref<128x32xf32, #tpu.memory_space<vmem>>, vector<1x16xf32>,
        %get3A_449 = vector.shape_cast %get3A_448 : vector<1x16xf32> to vector<16xf32>
        %swap3A_450 = arith.index_cast %add3A_445 : i32 to index
        %swap3A_451 = arith.constant 0 : index
        %swap3A_452 = tpu.vector_load %arg10[%swap3A_450, %swap3A_451] {strides = array<i32>} : memref<512x32xf32, #tpu.memory_space<vmem>>, vector<1x16xf32>,
        %swap3A_453 = vector.shape_cast %swap3A_452 : vector<1x16xf32> to vector<16xf32>
        %swap3A_454 = vector.shape_cast %get3A_449 : vector<16xf32> to vector<1x16xf32>
        tpu.vector_store %arg10[%swap3A_450, %swap3A_451], %swap3A_454 {add = true, strides = array<i32>} : memref<512x32xf32, #tpu.memory_space<vmem>>, vector<1x16xf32>,
        %add3A_455 = arith.addi %mul3A_200, %add3A_444 : i32
        %get3A_456 = arith.index_cast %add3A_444 : i32 to index
        %get3A_457 = arith.constant 16 : index
        %get3A_458 = tpu.vector_load %arg7[%get3A_456, %get3A_457] {strides = array<i32>} : memref<128x32xf32, #tpu.memory_space<vmem>>, vector<1x16xf32>,
        %get3A_459 = vector.shape_cast %get3A_458 : vector<1x16xf32> to vector<16xf32>
        %swap3A_460 = arith.index_cast %add3A_455 : i32 to index
        %swap3A_461 = arith.constant 16 : index
        %swap3A_462 = tpu.vector_load %arg10[%swap3A_460, %swap3A_461] {strides = array<i32>} : memref<512x32xf32, #tpu.memory_space<vmem>>, vector<1x16xf32>,
        %swap3A_463 = vector.shape_cast %swap3A_462 : vector<1x16xf32> to vector<16xf32>
        %swap3A_464 = vector.shape_cast %get3A_459 : vector<16xf32> to vector<1x16xf32>
        tpu.vector_store %arg10[%swap3A_460, %swap3A_461], %swap3A_464 {add = true, strides = array<i32>} : memref<512x32xf32, #tpu.memory_space<vmem>>, vector<1x16xf32>,
        %mul3A_465 = arith.constant 8 : i32
        %mul3A_466 = arith.muli %scan3A_345, %mul3A_465 : i32
        %add3A_467 = arith.constant 5 : i32
        %add3A_468 = arith.addi %mul3A_466, %add3A_467 : i32
        %add3A_469 = arith.addi %mul3A_200, %add3A_468 : i32
        %get3A_470 = arith.index_cast %add3A_468 : i32 to index
        %get3A_471 = arith.constant 0 : index
        %get3A_472 = tpu.vector_load %arg7[%get3A_470, %get3A_471] {strides = array<i32>} : memref<128x32xf32, #tpu.memory_space<vmem>>, vector<1x16xf32>,
        %get3A_473 = vector.shape_cast %get3A_472 : vector<1x16xf32> to vector<16xf32>
        %swap3A_474 = arith.index_cast %add3A_469 : i32 to index
        %swap3A_475 = arith.constant 0 : index
        %swap3A_476 = tpu.vector_load %arg10[%swap3A_474, %swap3A_475] {strides = array<i32>} : memref<512x32xf32, #tpu.memory_space<vmem>>, vector<1x16xf32>,
        %swap3A_477 = vector.shape_cast %swap3A_476 : vector<1x16xf32> to vector<16xf32>
        %swap3A_478 = vector.shape_cast %get3A_473 : vector<16xf32> to vector<1x16xf32>
        tpu.vector_store %arg10[%swap3A_474, %swap3A_475], %swap3A_478 {add = true, strides = array<i32>} : memref<512x32xf32, #tpu.memory_space<vmem>>, vector<1x16xf32>,
        %add3A_479 = arith.addi %mul3A_200, %add3A_468 : i32
        %get3A_480 = arith.index_cast %add3A_468 : i32 to index
        %get3A_481 = arith.constant 16 : index
        %get3A_482 = tpu.vector_load %arg7[%get3A_480, %get3A_481] {strides = array<i32>} : memref<128x32xf32, #tpu.memory_space<vmem>>, vector<1x16xf32>,
        %get3A_483 = vector.shape_cast %get3A_482 : vector<1x16xf32> to vector<16xf32>
        %swap3A_484 = arith.index_cast %add3A_479 : i32 to index
        %swap3A_485 = arith.constant 16 : index
        %swap3A_486 = tpu.vector_load %arg10[%swap3A_484, %swap3A_485] {strides = array<i32>} : memref<512x32xf32, #tpu.memory_space<vmem>>, vector<1x16xf32>,
        %swap3A_487 = vector.shape_cast %swap3A_486 : vector<1x16xf32> to vector<16xf32>
        %swap3A_488 = vector.shape_cast %get3A_483 : vector<16xf32> to vector<1x16xf32>
        tpu.vector_store %arg10[%swap3A_484, %swap3A_485], %swap3A_488 {add = true, strides = array<i32>} : memref<512x32xf32, #tpu.memory_space<vmem>>, vector<1x16xf32>,
        %mul3A_489 = arith.constant 8 : i32
        %mul3A_490 = arith.muli %scan3A_345, %mul3A_489 : i32
        %add3A_491 = arith.constant 6 : i32
        %add3A_492 = arith.addi %mul3A_490, %add3A_491 : i32
        %add3A_493 = arith.addi %mul3A_200, %add3A_492 : i32
        %get3A_494 = arith.index_cast %add3A_492 : i32 to index
        %get3A_495 = arith.constant 0 : index
        %get3A_496 = tpu.vector_load %arg7[%get3A_494, %get3A_495] {strides = array<i32>} : memref<128x32xf32, #tpu.memory_space<vmem>>, vector<1x16xf32>,
        %get3A_497 = vector.shape_cast %get3A_496 : vector<1x16xf32> to vector<16xf32>
        %swap3A_498 = arith.index_cast %add3A_493 : i32 to index
        %swap3A_499 = arith.constant 0 : index
        %swap3A_500 = tpu.vector_load %arg10[%swap3A_498, %swap3A_499] {strides = array<i32>} : memref<512x32xf32, #tpu.memory_space<vmem>>, vector<1x16xf32>,
        %swap3A_501 = vector.shape_cast %swap3A_500 : vector<1x16xf32> to vector<16xf32>
        %swap3A_502 = vector.shape_cast %get3A_497 : vector<16xf32> to vector<1x16xf32>
        tpu.vector_store %arg10[%swap3A_498, %swap3A_499], %swap3A_502 {add = true, strides = array<i32>} : memref<512x32xf32, #tpu.memory_space<vmem>>, vector<1x16xf32>,
        %add3A_503 = arith.addi %mul3A_200, %add3A_492 : i32
        %get3A_504 = arith.index_cast %add3A_492 : i32 to index
        %get3A_505 = arith.constant 16 : index
        %get3A_506 = tpu.vector_load %arg7[%get3A_504, %get3A_505] {strides = array<i32>} : memref<128x32xf32, #tpu.memory_space<vmem>>, vector<1x16xf32>,
        %get3A_507 = vector.shape_cast %get3A_506 : vector<1x16xf32> to vector<16xf32>
        %swap3A_508 = arith.index_cast %add3A_503 : i32 to index
        %swap3A_509 = arith.constant 16 : index
        %swap3A_510 = tpu.vector_load %arg10[%swap3A_508, %swap3A_509] {strides = array<i32>} : memref<512x32xf32, #tpu.memory_space<vmem>>, vector<1x16xf32>,
        %swap3A_511 = vector.shape_cast %swap3A_510 : vector<1x16xf32> to vector<16xf32>
        %swap3A_512 = vector.shape_cast %get3A_507 : vector<16xf32> to vector<1x16xf32>
        tpu.vector_store %arg10[%swap3A_508, %swap3A_509], %swap3A_512 {add = true, strides = array<i32>} : memref<512x32xf32, #tpu.memory_space<vmem>>, vector<1x16xf32>,
        %mul3A_513 = arith.constant 8 : i32
        %mul3A_514 = arith.muli %scan3A_345, %mul3A_513 : i32
        %add3A_515 = arith.constant 7 : i32
        %add3A_516 = arith.addi %mul3A_514, %add3A_515 : i32
        %add3A_517 = arith.addi %mul3A_200, %add3A_516 : i32
        %get3A_518 = arith.index_cast %add3A_516 : i32 to index
        %get3A_519 = arith.constant 0 : index
        %get3A_520 = tpu.vector_load %arg7[%get3A_518, %get3A_519] {strides = array<i32>} : memref<128x32xf32, #tpu.memory_space<vmem>>, vector<1x16xf32>,
        %get3A_521 = vector.shape_cast %get3A_520 : vector<1x16xf32> to vector<16xf32>
        %swap3A_522 = arith.index_cast %add3A_517 : i32 to index
        %swap3A_523 = arith.constant 0 : index
        %swap3A_524 = tpu.vector_load %arg10[%swap3A_522, %swap3A_523] {strides = array<i32>} : memref<512x32xf32, #tpu.memory_space<vmem>>, vector<1x16xf32>,
        %swap3A_525 = vector.shape_cast %swap3A_524 : vector<1x16xf32> to vector<16xf32>
        %swap3A_526 = vector.shape_cast %get3A_521 : vector<16xf32> to vector<1x16xf32>
        tpu.vector_store %arg10[%swap3A_522, %swap3A_523], %swap3A_526 {add = true, strides = array<i32>} : memref<512x32xf32, #tpu.memory_space<vmem>>, vector<1x16xf32>,
        %add3A_527 = arith.addi %mul3A_200, %add3A_516 : i32
        %get3A_528 = arith.index_cast %add3A_516 : i32 to index
        %get3A_529 = arith.constant 16 : index
        %get3A_530 = tpu.vector_load %arg7[%get3A_528, %get3A_529] {strides = array<i32>} : memref<128x32xf32, #tpu.memory_space<vmem>>, vector<1x16xf32>,
        %get3A_531 = vector.shape_cast %get3A_530 : vector<1x16xf32> to vector<16xf32>
        %swap3A_532 = arith.index_cast %add3A_527 : i32 to index
        %swap3A_533 = arith.constant 16 : index
        %swap3A_534 = tpu.vector_load %arg10[%swap3A_532, %swap3A_533] {strides = array<i32>} : memref<512x32xf32, #tpu.memory_space<vmem>>, vector<1x16xf32>,
        %swap3A_535 = vector.shape_cast %swap3A_534 : vector<1x16xf32> to vector<16xf32>
        %swap3A_536 = vector.shape_cast %get3A_531 : vector<16xf32> to vector<1x16xf32>
        tpu.vector_store %arg10[%swap3A_532, %swap3A_533], %swap3A_536 {add = true, strides = array<i32>} : memref<512x32xf32, #tpu.memory_space<vmem>>, vector<1x16xf32>,
        %scan3A_537 = arith.constant 0 : i32
        scf.yield %scan3A_537 : i32
      }
      %scan3A_207 = arith.constant 16 : i32
      %lt3A_208 = arith.constant 25 : i32
      %lt3A_209 = arith.cmpi slt, %scan3A_54, %lt3A_208 : i32
      %convert_element_type3A_210 = arith.extui %lt3A_209 : i1 to i32
      %cond3A_211 = arith.constant 0 : i32
      %cond3A_212 = arith.cmpi ne, %convert_element_type3A_210, %cond3A_211 : i32
      scf.if %cond3A_212 {
        %add3A_345 = arith.constant 5 : i32
        %add3A_346 = arith.addi %mul3A_57, %add3A_345 : i32
        %jit3A_347 = arith.constant 4 : i32
        %div3A_348 = arith.divsi %add3A_346, %jit3A_347 : i32
        %sign3A_349 = arith.constant 0 : i32
        %sign3A_350 = arith.cmpi sgt, %add3A_346, %sign3A_349 : i32
        %sign3A_351 = arith.extui %sign3A_350 : i1 to i32
        %sign3A_352 = arith.constant 0 : i32
        %sign3A_353 = arith.cmpi slt, %add3A_346, %sign3A_352 : i32
        %sign3A_354 = arith.extui %sign3A_353 : i1 to i32
        %sign3A_355 = arith.subi %sign3A_351, %sign3A_354 : i32
        %sign3A_356 = arith.constant 0 : i32
        %sign3A_357 = arith.cmpi sgt, %jit3A_347, %sign3A_356 : i32
        %sign3A_358 = arith.extui %sign3A_357 : i1 to i32
        %sign3A_359 = arith.constant 0 : i32
        %sign3A_360 = arith.cmpi slt, %jit3A_347, %sign3A_359 : i32
        %sign3A_361 = arith.extui %sign3A_360 : i1 to i32
        %sign3A_362 = arith.subi %sign3A_358, %sign3A_361 : i32
        %ne3A_363 = arith.cmpi ne, %sign3A_355, %sign3A_362 : i32
        %rem3A_364 = arith.remsi %add3A_346, %jit3A_347 : i32
        %ne3A_365 = arith.constant 0 : i32
        %ne3A_366 = arith.cmpi ne, %rem3A_364, %ne3A_365 : i32
        %and3A_367 = arith.andi %ne3A_363, %ne3A_366 : i1
        %sub3A_368 = arith.constant 1 : i32
        %sub3A_369 = arith.subi %div3A_348, %sub3A_368 : i32
        %select_n3A_370 = arith.select %and3A_367, %sub3A_369, %div3A_348 : i32
        %dma_start3A_371 = arith.constant 0 : i32
        %dma_start3A_372 = tpu.memref_slice %arg5[%add3A_346, %dma_start3A_371] : memref<104x128xi32, #tpu.memory_space<vmem>> -> memref<1x128xi32, #tpu.memory_space<vmem>>
        %dma_start3A_373 = tpu.memref_squeeze %dma_start3A_372 : memref<1x128xi32, #tpu.memory_space<vmem>> -> memref<128xi32, #tpu.memory_space<vmem>>
        %dma_start3A_374 = arith.constant 0 : i32
        %dma_start3A_375 = arith.constant 0 : i32
        %dma_start3A_376 = tpu.memref_slice %arg3[%select_n3A_370, %dma_start3A_374, %dma_start3A_375] : memref<26x100000x32xf32, #tpu.memory_space<hbm>> -> memref<1x100000x32xf32, #tpu.memory_space<hbm>>
        %dma_start3A_377 = tpu.memref_squeeze %dma_start3A_376 : memref<1x100000x32xf32, #tpu.memory_space<hbm>> -> memref<100000x32xf32, #tpu.memory_space<hbm>>
        %dma_start3A_378 = arith.constant 0 : i32
        %dma_start3A_379 = arith.constant 0 : i32
        %dma_start3A_380 = tpu.memref_slice %dma_start3A_377[%dma_start3A_378, %dma_start3A_379] : memref<100000x32xf32, #tpu.memory_space<hbm>> -> memref<100000x32xf32, #tpu.memory_space<hbm>>
        tpu.enqueue_indirect_dma source(%dma_start3A_380 : memref<100000x32xf32, #tpu.memory_space<hbm>>) target(%arg7 : memref<128x32xf32, #tpu.memory_space<vmem>>) offsets(%dma_start3A_373 : memref<128xi32, #tpu.memory_space<vmem>>) semaphore(%arg11 : memref<!tpu.dma_semaphore, #tpu.memory_space<semaphore_mem>>)
      } else {
      }
      %add3A_213 = arith.constant 2 : i32
      %add3A_214 = arith.addi %mul3A_57, %add3A_213 : i32
      %jit3A_215 = arith.constant 4 : i32
      %div3A_216 = arith.divsi %add3A_214, %jit3A_215 : i32
      %sign3A_217 = arith.constant 0 : i32
      %sign3A_218 = arith.cmpi sgt, %add3A_214, %sign3A_217 : i32
      %sign3A_219 = arith.extui %sign3A_218 : i1 to i32
      %sign3A_220 = arith.constant 0 : i32
      %sign3A_221 = arith.cmpi slt, %add3A_214, %sign3A_220 : i32
      %sign3A_222 = arith.extui %sign3A_221 : i1 to i32
      %sign3A_223 = arith.subi %sign3A_219, %sign3A_222 : i32
      %sign3A_224 = arith.constant 0 : i32
      %sign3A_225 = arith.cmpi sgt, %jit3A_215, %sign3A_224 : i32
      %sign3A_226 = arith.extui %sign3A_225 : i1 to i32
      %sign3A_227 = arith.constant 0 : i32
      %sign3A_228 = arith.cmpi slt, %jit3A_215, %sign3A_227 : i32
      %sign3A_229 = arith.extui %sign3A_228 : i1 to i32
      %sign3A_230 = arith.subi %sign3A_226, %sign3A_229 : i32
      %ne3A_231 = arith.cmpi ne, %sign3A_223, %sign3A_230 : i32
      %rem3A_232 = arith.remsi %add3A_214, %jit3A_215 : i32
      %ne3A_233 = arith.constant 0 : i32
      %ne3A_234 = arith.cmpi ne, %rem3A_232, %ne3A_233 : i32
      %and3A_235 = arith.andi %ne3A_231, %ne3A_234 : i1
      %sub3A_236 = arith.constant 1 : i32
      %sub3A_237 = arith.subi %div3A_216, %sub3A_236 : i32
      %select_n3A_238 = arith.select %and3A_235, %sub3A_237, %div3A_216 : i32
      %dma_wait3A_239 = arith.constant 0 : i32
      %dma_wait3A_240 = tpu.memref_slice %arg5[%add3A_214, %dma_wait3A_239] : memref<104x128xi32, #tpu.memory_space<vmem>> -> memref<1x128xi32, #tpu.memory_space<vmem>>
      %dma_wait3A_241 = tpu.memref_squeeze %dma_wait3A_240 : memref<1x128xi32, #tpu.memory_space<vmem>> -> memref<128xi32, #tpu.memory_space<vmem>>
      %dma_wait3A_242 = arith.constant 0 : i32
      %dma_wait3A_243 = arith.constant 0 : i32
      %dma_wait3A_244 = tpu.memref_slice %arg3[%select_n3A_238, %dma_wait3A_242, %dma_wait3A_243] : memref<26x100000x32xf32, #tpu.memory_space<hbm>> -> memref<1x100000x32xf32, #tpu.memory_space<hbm>>
      %dma_wait3A_245 = tpu.memref_squeeze %dma_wait3A_244 : memref<1x100000x32xf32, #tpu.memory_space<hbm>> -> memref<100000x32xf32, #tpu.memory_space<hbm>>
      %dma_wait3A_246 = arith.constant 0 : i32
      %dma_wait3A_247 = arith.constant 0 : i32
      %dma_wait3A_248 = tpu.memref_slice %dma_wait3A_245[%dma_wait3A_246, %dma_wait3A_247] : memref<100000x32xf32, #tpu.memory_space<hbm>> -> memref<100000x32xf32, #tpu.memory_space<hbm>>
      tpu.wait_indirect_dma semaphore(%arg11 : memref<!tpu.dma_semaphore, #tpu.memory_space<semaphore_mem>>) src(%dma_wait3A_248 : memref<100000x32xf32, #tpu.memory_space<hbm>>) dst(%arg8 : memref<128x32xf32, #tpu.memory_space<vmem>>)
      %add3A_249 = arith.constant 2 : i32
      %add3A_250 = arith.addi %mul3A_57, %add3A_249 : i32
      %jit3A_251 = arith.constant 4 : i32
      %eq3A_252 = arith.constant 0 : i32
      %eq3A_253 = arith.cmpi eq, %jit3A_251, %eq3A_252 : i32
      %jit3A_254 = arith.constant 1 : i32
      %select_n3A_255 = arith.select %eq3A_253, %jit3A_254, %jit3A_251 : i32
      %rem3A_256 = arith.remsi %add3A_250, %select_n3A_255 : i32
      %ne3A_257 = arith.constant 0 : i32
      %ne3A_258 = arith.cmpi ne, %rem3A_256, %ne3A_257 : i32
      %lt3A_259 = arith.constant 0 : i32
      %lt3A_260 = arith.cmpi slt, %rem3A_256, %lt3A_259 : i32
      %lt3A_261 = arith.constant 0 : i32
      %lt3A_262 = arith.cmpi slt, %select_n3A_255, %lt3A_261 : i32
      %ne3A_263 = arith.xori %lt3A_260, %lt3A_262 : i1
      %and3A_264 = arith.andi %ne3A_263, %ne3A_258 : i1
      %add3A_265 = arith.addi %rem3A_256, %select_n3A_255 : i32
      %select_n3A_266 = arith.select %and3A_264, %add3A_265, %rem3A_256 : i32
      %mul3A_267 = arith.constant 128 : i32
      %mul3A_268 = arith.muli %select_n3A_266, %mul3A_267 : i32
      %scan3A_269 = arith.constant 0 : i32
      %scan3A_270 = arith.constant 0 : i32
      %scan3A_271 = arith.constant 16 : i32
      %scan3A_272 = arith.addi %scan3A_270, %scan3A_271 : i32
      %scan3A_273 = arith.constant 1 : i32
      %scan3A_274 = scf.for %scan3A_345 = %scan3A_270 to %scan3A_272 step %scan3A_273 iter_args(%scan3A_346 = %scan3A_269) -> (i32)  : i32 {
        %mul3A_347 = arith.constant 8 : i32
        %mul3A_348 = arith.muli %scan3A_345, %mul3A_347 : i32
        %add3A_349 = arith.constant 0 : i32
        %add3A_350 = arith.addi %mul3A_348, %add3A_349 : i32
        %add3A_351 = arith.addi %mul3A_268, %add3A_350 : i32
        %get3A = arith.index_cast %add3A_350 : i32 to index
        %get3A_352 = arith.constant 0 : index
        %get3A_353 = tpu.vector_load %arg8[%get3A, %get3A_352] {strides = array<i32>} : memref<128x32xf32, #tpu.memory_space<vmem>>, vector<1x16xf32>,
        %get3A_354 = vector.shape_cast %get3A_353 : vector<1x16xf32> to vector<16xf32>
        %swap3A = arith.index_cast %add3A_351 : i32 to index
        %swap3A_355 = arith.constant 0 : index
        %swap3A_356 = tpu.vector_load %arg10[%swap3A, %swap3A_355] {strides = array<i32>} : memref<512x32xf32, #tpu.memory_space<vmem>>, vector<1x16xf32>,
        %swap3A_357 = vector.shape_cast %swap3A_356 : vector<1x16xf32> to vector<16xf32>
        %swap3A_358 = vector.shape_cast %get3A_354 : vector<16xf32> to vector<1x16xf32>
        tpu.vector_store %arg10[%swap3A, %swap3A_355], %swap3A_358 {add = true, strides = array<i32>} : memref<512x32xf32, #tpu.memory_space<vmem>>, vector<1x16xf32>,
        %add3A_359 = arith.addi %mul3A_268, %add3A_350 : i32
        %get3A_360 = arith.index_cast %add3A_350 : i32 to index
        %get3A_361 = arith.constant 16 : index
        %get3A_362 = tpu.vector_load %arg8[%get3A_360, %get3A_361] {strides = array<i32>} : memref<128x32xf32, #tpu.memory_space<vmem>>, vector<1x16xf32>,
        %get3A_363 = vector.shape_cast %get3A_362 : vector<1x16xf32> to vector<16xf32>
        %swap3A_364 = arith.index_cast %add3A_359 : i32 to index
        %swap3A_365 = arith.constant 16 : index
        %swap3A_366 = tpu.vector_load %arg10[%swap3A_364, %swap3A_365] {strides = array<i32>} : memref<512x32xf32, #tpu.memory_space<vmem>>, vector<1x16xf32>,
        %swap3A_367 = vector.shape_cast %swap3A_366 : vector<1x16xf32> to vector<16xf32>
        %swap3A_368 = vector.shape_cast %get3A_363 : vector<16xf32> to vector<1x16xf32>
        tpu.vector_store %arg10[%swap3A_364, %swap3A_365], %swap3A_368 {add = true, strides = array<i32>} : memref<512x32xf32, #tpu.memory_space<vmem>>, vector<1x16xf32>,
        %mul3A_369 = arith.constant 8 : i32
        %mul3A_370 = arith.muli %scan3A_345, %mul3A_369 : i32
        %add3A_371 = arith.constant 1 : i32
        %add3A_372 = arith.addi %mul3A_370, %add3A_371 : i32
        %add3A_373 = arith.addi %mul3A_268, %add3A_372 : i32
        %get3A_374 = arith.index_cast %add3A_372 : i32 to index
        %get3A_375 = arith.constant 0 : index
        %get3A_376 = tpu.vector_load %arg8[%get3A_374, %get3A_375] {strides = array<i32>} : memref<128x32xf32, #tpu.memory_space<vmem>>, vector<1x16xf32>,
        %get3A_377 = vector.shape_cast %get3A_376 : vector<1x16xf32> to vector<16xf32>
        %swap3A_378 = arith.index_cast %add3A_373 : i32 to index
        %swap3A_379 = arith.constant 0 : index
        %swap3A_380 = tpu.vector_load %arg10[%swap3A_378, %swap3A_379] {strides = array<i32>} : memref<512x32xf32, #tpu.memory_space<vmem>>, vector<1x16xf32>,
        %swap3A_381 = vector.shape_cast %swap3A_380 : vector<1x16xf32> to vector<16xf32>
        %swap3A_382 = vector.shape_cast %get3A_377 : vector<16xf32> to vector<1x16xf32>
        tpu.vector_store %arg10[%swap3A_378, %swap3A_379], %swap3A_382 {add = true, strides = array<i32>} : memref<512x32xf32, #tpu.memory_space<vmem>>, vector<1x16xf32>,
        %add3A_383 = arith.addi %mul3A_268, %add3A_372 : i32
        %get3A_384 = arith.index_cast %add3A_372 : i32 to index
        %get3A_385 = arith.constant 16 : index
        %get3A_386 = tpu.vector_load %arg8[%get3A_384, %get3A_385] {strides = array<i32>} : memref<128x32xf32, #tpu.memory_space<vmem>>, vector<1x16xf32>,
        %get3A_387 = vector.shape_cast %get3A_386 : vector<1x16xf32> to vector<16xf32>
        %swap3A_388 = arith.index_cast %add3A_383 : i32 to index
        %swap3A_389 = arith.constant 16 : index
        %swap3A_390 = tpu.vector_load %arg10[%swap3A_388, %swap3A_389] {strides = array<i32>} : memref<512x32xf32, #tpu.memory_space<vmem>>, vector<1x16xf32>,
        %swap3A_391 = vector.shape_cast %swap3A_390 : vector<1x16xf32> to vector<16xf32>
        %swap3A_392 = vector.shape_cast %get3A_387 : vector<16xf32> to vector<1x16xf32>
        tpu.vector_store %arg10[%swap3A_388, %swap3A_389], %swap3A_392 {add = true, strides = array<i32>} : memref<512x32xf32, #tpu.memory_space<vmem>>, vector<1x16xf32>,
        %mul3A_393 = arith.constant 8 : i32
        %mul3A_394 = arith.muli %scan3A_345, %mul3A_393 : i32
        %add3A_395 = arith.constant 2 : i32
        %add3A_396 = arith.addi %mul3A_394, %add3A_395 : i32
        %add3A_397 = arith.addi %mul3A_268, %add3A_396 : i32
        %get3A_398 = arith.index_cast %add3A_396 : i32 to index
        %get3A_399 = arith.constant 0 : index
        %get3A_400 = tpu.vector_load %arg8[%get3A_398, %get3A_399] {strides = array<i32>} : memref<128x32xf32, #tpu.memory_space<vmem>>, vector<1x16xf32>,
        %get3A_401 = vector.shape_cast %get3A_400 : vector<1x16xf32> to vector<16xf32>
        %swap3A_402 = arith.index_cast %add3A_397 : i32 to index
        %swap3A_403 = arith.constant 0 : index
        %swap3A_404 = tpu.vector_load %arg10[%swap3A_402, %swap3A_403] {strides = array<i32>} : memref<512x32xf32, #tpu.memory_space<vmem>>, vector<1x16xf32>,
        %swap3A_405 = vector.shape_cast %swap3A_404 : vector<1x16xf32> to vector<16xf32>
        %swap3A_406 = vector.shape_cast %get3A_401 : vector<16xf32> to vector<1x16xf32>
        tpu.vector_store %arg10[%swap3A_402, %swap3A_403], %swap3A_406 {add = true, strides = array<i32>} : memref<512x32xf32, #tpu.memory_space<vmem>>, vector<1x16xf32>,
        %add3A_407 = arith.addi %mul3A_268, %add3A_396 : i32
        %get3A_408 = arith.index_cast %add3A_396 : i32 to index
        %get3A_409 = arith.constant 16 : index
        %get3A_410 = tpu.vector_load %arg8[%get3A_408, %get3A_409] {strides = array<i32>} : memref<128x32xf32, #tpu.memory_space<vmem>>, vector<1x16xf32>,
        %get3A_411 = vector.shape_cast %get3A_410 : vector<1x16xf32> to vector<16xf32>
        %swap3A_412 = arith.index_cast %add3A_407 : i32 to index
        %swap3A_413 = arith.constant 16 : index
        %swap3A_414 = tpu.vector_load %arg10[%swap3A_412, %swap3A_413] {strides = array<i32>} : memref<512x32xf32, #tpu.memory_space<vmem>>, vector<1x16xf32>,
        %swap3A_415 = vector.shape_cast %swap3A_414 : vector<1x16xf32> to vector<16xf32>
        %swap3A_416 = vector.shape_cast %get3A_411 : vector<16xf32> to vector<1x16xf32>
        tpu.vector_store %arg10[%swap3A_412, %swap3A_413], %swap3A_416 {add = true, strides = array<i32>} : memref<512x32xf32, #tpu.memory_space<vmem>>, vector<1x16xf32>,
        %mul3A_417 = arith.constant 8 : i32
        %mul3A_418 = arith.muli %scan3A_345, %mul3A_417 : i32
        %add3A_419 = arith.constant 3 : i32
        %add3A_420 = arith.addi %mul3A_418, %add3A_419 : i32
        %add3A_421 = arith.addi %mul3A_268, %add3A_420 : i32
        %get3A_422 = arith.index_cast %add3A_420 : i32 to index
        %get3A_423 = arith.constant 0 : index
        %get3A_424 = tpu.vector_load %arg8[%get3A_422, %get3A_423] {strides = array<i32>} : memref<128x32xf32, #tpu.memory_space<vmem>>, vector<1x16xf32>,
        %get3A_425 = vector.shape_cast %get3A_424 : vector<1x16xf32> to vector<16xf32>
        %swap3A_426 = arith.index_cast %add3A_421 : i32 to index
        %swap3A_427 = arith.constant 0 : index
        %swap3A_428 = tpu.vector_load %arg10[%swap3A_426, %swap3A_427] {strides = array<i32>} : memref<512x32xf32, #tpu.memory_space<vmem>>, vector<1x16xf32>,
        %swap3A_429 = vector.shape_cast %swap3A_428 : vector<1x16xf32> to vector<16xf32>
        %swap3A_430 = vector.shape_cast %get3A_425 : vector<16xf32> to vector<1x16xf32>
        tpu.vector_store %arg10[%swap3A_426, %swap3A_427], %swap3A_430 {add = true, strides = array<i32>} : memref<512x32xf32, #tpu.memory_space<vmem>>, vector<1x16xf32>,
        %add3A_431 = arith.addi %mul3A_268, %add3A_420 : i32
        %get3A_432 = arith.index_cast %add3A_420 : i32 to index
        %get3A_433 = arith.constant 16 : index
        %get3A_434 = tpu.vector_load %arg8[%get3A_432, %get3A_433] {strides = array<i32>} : memref<128x32xf32, #tpu.memory_space<vmem>>, vector<1x16xf32>,
        %get3A_435 = vector.shape_cast %get3A_434 : vector<1x16xf32> to vector<16xf32>
        %swap3A_436 = arith.index_cast %add3A_431 : i32 to index
        %swap3A_437 = arith.constant 16 : index
        %swap3A_438 = tpu.vector_load %arg10[%swap3A_436, %swap3A_437] {strides = array<i32>} : memref<512x32xf32, #tpu.memory_space<vmem>>, vector<1x16xf32>,
        %swap3A_439 = vector.shape_cast %swap3A_438 : vector<1x16xf32> to vector<16xf32>
        %swap3A_440 = vector.shape_cast %get3A_435 : vector<16xf32> to vector<1x16xf32>
        tpu.vector_store %arg10[%swap3A_436, %swap3A_437], %swap3A_440 {add = true, strides = array<i32>} : memref<512x32xf32, #tpu.memory_space<vmem>>, vector<1x16xf32>,
        %mul3A_441 = arith.constant 8 : i32
        %mul3A_442 = arith.muli %scan3A_345, %mul3A_441 : i32
        %add3A_443 = arith.constant 4 : i32
        %add3A_444 = arith.addi %mul3A_442, %add3A_443 : i32
        %add3A_445 = arith.addi %mul3A_268, %add3A_444 : i32
        %get3A_446 = arith.index_cast %add3A_444 : i32 to index
        %get3A_447 = arith.constant 0 : index
        %get3A_448 = tpu.vector_load %arg8[%get3A_446, %get3A_447] {strides = array<i32>} : memref<128x32xf32, #tpu.memory_space<vmem>>, vector<1x16xf32>,
        %get3A_449 = vector.shape_cast %get3A_448 : vector<1x16xf32> to vector<16xf32>
        %swap3A_450 = arith.index_cast %add3A_445 : i32 to index
        %swap3A_451 = arith.constant 0 : index
        %swap3A_452 = tpu.vector_load %arg10[%swap3A_450, %swap3A_451] {strides = array<i32>} : memref<512x32xf32, #tpu.memory_space<vmem>>, vector<1x16xf32>,
        %swap3A_453 = vector.shape_cast %swap3A_452 : vector<1x16xf32> to vector<16xf32>
        %swap3A_454 = vector.shape_cast %get3A_449 : vector<16xf32> to vector<1x16xf32>
        tpu.vector_store %arg10[%swap3A_450, %swap3A_451], %swap3A_454 {add = true, strides = array<i32>} : memref<512x32xf32, #tpu.memory_space<vmem>>, vector<1x16xf32>,
        %add3A_455 = arith.addi %mul3A_268, %add3A_444 : i32
        %get3A_456 = arith.index_cast %add3A_444 : i32 to index
        %get3A_457 = arith.constant 16 : index
        %get3A_458 = tpu.vector_load %arg8[%get3A_456, %get3A_457] {strides = array<i32>} : memref<128x32xf32, #tpu.memory_space<vmem>>, vector<1x16xf32>,
        %get3A_459 = vector.shape_cast %get3A_458 : vector<1x16xf32> to vector<16xf32>
        %swap3A_460 = arith.index_cast %add3A_455 : i32 to index
        %swap3A_461 = arith.constant 16 : index
        %swap3A_462 = tpu.vector_load %arg10[%swap3A_460, %swap3A_461] {strides = array<i32>} : memref<512x32xf32, #tpu.memory_space<vmem>>, vector<1x16xf32>,
        %swap3A_463 = vector.shape_cast %swap3A_462 : vector<1x16xf32> to vector<16xf32>
        %swap3A_464 = vector.shape_cast %get3A_459 : vector<16xf32> to vector<1x16xf32>
        tpu.vector_store %arg10[%swap3A_460, %swap3A_461], %swap3A_464 {add = true, strides = array<i32>} : memref<512x32xf32, #tpu.memory_space<vmem>>, vector<1x16xf32>,
        %mul3A_465 = arith.constant 8 : i32
        %mul3A_466 = arith.muli %scan3A_345, %mul3A_465 : i32
        %add3A_467 = arith.constant 5 : i32
        %add3A_468 = arith.addi %mul3A_466, %add3A_467 : i32
        %add3A_469 = arith.addi %mul3A_268, %add3A_468 : i32
        %get3A_470 = arith.index_cast %add3A_468 : i32 to index
        %get3A_471 = arith.constant 0 : index
        %get3A_472 = tpu.vector_load %arg8[%get3A_470, %get3A_471] {strides = array<i32>} : memref<128x32xf32, #tpu.memory_space<vmem>>, vector<1x16xf32>,
        %get3A_473 = vector.shape_cast %get3A_472 : vector<1x16xf32> to vector<16xf32>
        %swap3A_474 = arith.index_cast %add3A_469 : i32 to index
        %swap3A_475 = arith.constant 0 : index
        %swap3A_476 = tpu.vector_load %arg10[%swap3A_474, %swap3A_475] {strides = array<i32>} : memref<512x32xf32, #tpu.memory_space<vmem>>, vector<1x16xf32>,
        %swap3A_477 = vector.shape_cast %swap3A_476 : vector<1x16xf32> to vector<16xf32>
        %swap3A_478 = vector.shape_cast %get3A_473 : vector<16xf32> to vector<1x16xf32>
        tpu.vector_store %arg10[%swap3A_474, %swap3A_475], %swap3A_478 {add = true, strides = array<i32>} : memref<512x32xf32, #tpu.memory_space<vmem>>, vector<1x16xf32>,
        %add3A_479 = arith.addi %mul3A_268, %add3A_468 : i32
        %get3A_480 = arith.index_cast %add3A_468 : i32 to index
        %get3A_481 = arith.constant 16 : index
        %get3A_482 = tpu.vector_load %arg8[%get3A_480, %get3A_481] {strides = array<i32>} : memref<128x32xf32, #tpu.memory_space<vmem>>, vector<1x16xf32>,
        %get3A_483 = vector.shape_cast %get3A_482 : vector<1x16xf32> to vector<16xf32>
        %swap3A_484 = arith.index_cast %add3A_479 : i32 to index
        %swap3A_485 = arith.constant 16 : index
        %swap3A_486 = tpu.vector_load %arg10[%swap3A_484, %swap3A_485] {strides = array<i32>} : memref<512x32xf32, #tpu.memory_space<vmem>>, vector<1x16xf32>,
        %swap3A_487 = vector.shape_cast %swap3A_486 : vector<1x16xf32> to vector<16xf32>
        %swap3A_488 = vector.shape_cast %get3A_483 : vector<16xf32> to vector<1x16xf32>
        tpu.vector_store %arg10[%swap3A_484, %swap3A_485], %swap3A_488 {add = true, strides = array<i32>} : memref<512x32xf32, #tpu.memory_space<vmem>>, vector<1x16xf32>,
        %mul3A_489 = arith.constant 8 : i32
        %mul3A_490 = arith.muli %scan3A_345, %mul3A_489 : i32
        %add3A_491 = arith.constant 6 : i32
        %add3A_492 = arith.addi %mul3A_490, %add3A_491 : i32
        %add3A_493 = arith.addi %mul3A_268, %add3A_492 : i32
        %get3A_494 = arith.index_cast %add3A_492 : i32 to index
        %get3A_495 = arith.constant 0 : index
        %get3A_496 = tpu.vector_load %arg8[%get3A_494, %get3A_495] {strides = array<i32>} : memref<128x32xf32, #tpu.memory_space<vmem>>, vector<1x16xf32>,
        %get3A_497 = vector.shape_cast %get3A_496 : vector<1x16xf32> to vector<16xf32>
        %swap3A_498 = arith.index_cast %add3A_493 : i32 to index
        %swap3A_499 = arith.constant 0 : index
        %swap3A_500 = tpu.vector_load %arg10[%swap3A_498, %swap3A_499] {strides = array<i32>} : memref<512x32xf32, #tpu.memory_space<vmem>>, vector<1x16xf32>,
        %swap3A_501 = vector.shape_cast %swap3A_500 : vector<1x16xf32> to vector<16xf32>
        %swap3A_502 = vector.shape_cast %get3A_497 : vector<16xf32> to vector<1x16xf32>
        tpu.vector_store %arg10[%swap3A_498, %swap3A_499], %swap3A_502 {add = true, strides = array<i32>} : memref<512x32xf32, #tpu.memory_space<vmem>>, vector<1x16xf32>,
        %add3A_503 = arith.addi %mul3A_268, %add3A_492 : i32
        %get3A_504 = arith.index_cast %add3A_492 : i32 to index
        %get3A_505 = arith.constant 16 : index
        %get3A_506 = tpu.vector_load %arg8[%get3A_504, %get3A_505] {strides = array<i32>} : memref<128x32xf32, #tpu.memory_space<vmem>>, vector<1x16xf32>,
        %get3A_507 = vector.shape_cast %get3A_506 : vector<1x16xf32> to vector<16xf32>
        %swap3A_508 = arith.index_cast %add3A_503 : i32 to index
        %swap3A_509 = arith.constant 16 : index
        %swap3A_510 = tpu.vector_load %arg10[%swap3A_508, %swap3A_509] {strides = array<i32>} : memref<512x32xf32, #tpu.memory_space<vmem>>, vector<1x16xf32>,
        %swap3A_511 = vector.shape_cast %swap3A_510 : vector<1x16xf32> to vector<16xf32>
        %swap3A_512 = vector.shape_cast %get3A_507 : vector<16xf32> to vector<1x16xf32>
        tpu.vector_store %arg10[%swap3A_508, %swap3A_509], %swap3A_512 {add = true, strides = array<i32>} : memref<512x32xf32, #tpu.memory_space<vmem>>, vector<1x16xf32>,
        %mul3A_513 = arith.constant 8 : i32
        %mul3A_514 = arith.muli %scan3A_345, %mul3A_513 : i32
        %add3A_515 = arith.constant 7 : i32
        %add3A_516 = arith.addi %mul3A_514, %add3A_515 : i32
        %add3A_517 = arith.addi %mul3A_268, %add3A_516 : i32
        %get3A_518 = arith.index_cast %add3A_516 : i32 to index
        %get3A_519 = arith.constant 0 : index
        %get3A_520 = tpu.vector_load %arg8[%get3A_518, %get3A_519] {strides = array<i32>} : memref<128x32xf32, #tpu.memory_space<vmem>>, vector<1x16xf32>,
        %get3A_521 = vector.shape_cast %get3A_520 : vector<1x16xf32> to vector<16xf32>
        %swap3A_522 = arith.index_cast %add3A_517 : i32 to index
        %swap3A_523 = arith.constant 0 : index
        %swap3A_524 = tpu.vector_load %arg10[%swap3A_522, %swap3A_523] {strides = array<i32>} : memref<512x32xf32, #tpu.memory_space<vmem>>, vector<1x16xf32>,
        %swap3A_525 = vector.shape_cast %swap3A_524 : vector<1x16xf32> to vector<16xf32>
        %swap3A_526 = vector.shape_cast %get3A_521 : vector<16xf32> to vector<1x16xf32>
        tpu.vector_store %arg10[%swap3A_522, %swap3A_523], %swap3A_526 {add = true, strides = array<i32>} : memref<512x32xf32, #tpu.memory_space<vmem>>, vector<1x16xf32>,
        %add3A_527 = arith.addi %mul3A_268, %add3A_516 : i32
        %get3A_528 = arith.index_cast %add3A_516 : i32 to index
        %get3A_529 = arith.constant 16 : index
        %get3A_530 = tpu.vector_load %arg8[%get3A_528, %get3A_529] {strides = array<i32>} : memref<128x32xf32, #tpu.memory_space<vmem>>, vector<1x16xf32>,
        %get3A_531 = vector.shape_cast %get3A_530 : vector<1x16xf32> to vector<16xf32>
        %swap3A_532 = arith.index_cast %add3A_527 : i32 to index
        %swap3A_533 = arith.constant 16 : index
        %swap3A_534 = tpu.vector_load %arg10[%swap3A_532, %swap3A_533] {strides = array<i32>} : memref<512x32xf32, #tpu.memory_space<vmem>>, vector<1x16xf32>,
        %swap3A_535 = vector.shape_cast %swap3A_534 : vector<1x16xf32> to vector<16xf32>
        %swap3A_536 = vector.shape_cast %get3A_531 : vector<16xf32> to vector<1x16xf32>
        tpu.vector_store %arg10[%swap3A_532, %swap3A_533], %swap3A_536 {add = true, strides = array<i32>} : memref<512x32xf32, #tpu.memory_space<vmem>>, vector<1x16xf32>,
        %scan3A_537 = arith.constant 0 : i32
        scf.yield %scan3A_537 : i32
      }
      %scan3A_275 = arith.constant 16 : i32
      %lt3A_276 = arith.constant 25 : i32
      %lt3A_277 = arith.cmpi slt, %scan3A_54, %lt3A_276 : i32
      %convert_element_type3A_278 = arith.extui %lt3A_277 : i1 to i32
      %cond3A_279 = arith.constant 0 : i32
      %cond3A_280 = arith.cmpi ne, %convert_element_type3A_278, %cond3A_279 : i32
      scf.if %cond3A_280 {
        %add3A_345 = arith.constant 6 : i32
        %add3A_346 = arith.addi %mul3A_57, %add3A_345 : i32
        %jit3A_347 = arith.constant 4 : i32
        %div3A_348 = arith.divsi %add3A_346, %jit3A_347 : i32
        %sign3A_349 = arith.constant 0 : i32
        %sign3A_350 = arith.cmpi sgt, %add3A_346, %sign3A_349 : i32
        %sign3A_351 = arith.extui %sign3A_350 : i1 to i32
        %sign3A_352 = arith.constant 0 : i32
        %sign3A_353 = arith.cmpi slt, %add3A_346, %sign3A_352 : i32
        %sign3A_354 = arith.extui %sign3A_353 : i1 to i32
        %sign3A_355 = arith.subi %sign3A_351, %sign3A_354 : i32
        %sign3A_356 = arith.constant 0 : i32
        %sign3A_357 = arith.cmpi sgt, %jit3A_347, %sign3A_356 : i32
        %sign3A_358 = arith.extui %sign3A_357 : i1 to i32
        %sign3A_359 = arith.constant 0 : i32
        %sign3A_360 = arith.cmpi slt, %jit3A_347, %sign3A_359 : i32
        %sign3A_361 = arith.extui %sign3A_360 : i1 to i32
        %sign3A_362 = arith.subi %sign3A_358, %sign3A_361 : i32
        %ne3A_363 = arith.cmpi ne, %sign3A_355, %sign3A_362 : i32
        %rem3A_364 = arith.remsi %add3A_346, %jit3A_347 : i32
        %ne3A_365 = arith.constant 0 : i32
        %ne3A_366 = arith.cmpi ne, %rem3A_364, %ne3A_365 : i32
        %and3A_367 = arith.andi %ne3A_363, %ne3A_366 : i1
        %sub3A_368 = arith.constant 1 : i32
        %sub3A_369 = arith.subi %div3A_348, %sub3A_368 : i32
        %select_n3A_370 = arith.select %and3A_367, %sub3A_369, %div3A_348 : i32
        %dma_start3A_371 = arith.constant 0 : i32
        %dma_start3A_372 = tpu.memref_slice %arg5[%add3A_346, %dma_start3A_371] : memref<104x128xi32, #tpu.memory_space<vmem>> -> memref<1x128xi32, #tpu.memory_space<vmem>>
        %dma_start3A_373 = tpu.memref_squeeze %dma_start3A_372 : memref<1x128xi32, #tpu.memory_space<vmem>> -> memref<128xi32, #tpu.memory_space<vmem>>
        %dma_start3A_374 = arith.constant 0 : i32
        %dma_start3A_375 = arith.constant 0 : i32
        %dma_start3A_376 = tpu.memref_slice %arg3[%select_n3A_370, %dma_start3A_374, %dma_start3A_375] : memref<26x100000x32xf32, #tpu.memory_space<hbm>> -> memref<1x100000x32xf32, #tpu.memory_space<hbm>>
        %dma_start3A_377 = tpu.memref_squeeze %dma_start3A_376 : memref<1x100000x32xf32, #tpu.memory_space<hbm>> -> memref<100000x32xf32, #tpu.memory_space<hbm>>
        %dma_start3A_378 = arith.constant 0 : i32
        %dma_start3A_379 = arith.constant 0 : i32
        %dma_start3A_380 = tpu.memref_slice %dma_start3A_377[%dma_start3A_378, %dma_start3A_379] : memref<100000x32xf32, #tpu.memory_space<hbm>> -> memref<100000x32xf32, #tpu.memory_space<hbm>>
        tpu.enqueue_indirect_dma source(%dma_start3A_380 : memref<100000x32xf32, #tpu.memory_space<hbm>>) target(%arg8 : memref<128x32xf32, #tpu.memory_space<vmem>>) offsets(%dma_start3A_373 : memref<128xi32, #tpu.memory_space<vmem>>) semaphore(%arg11 : memref<!tpu.dma_semaphore, #tpu.memory_space<semaphore_mem>>)
      } else {
      }
      %add3A_281 = arith.constant 3 : i32
      %add3A_282 = arith.addi %mul3A_57, %add3A_281 : i32
      %jit3A_283 = arith.constant 4 : i32
      %div3A_284 = arith.divsi %add3A_282, %jit3A_283 : i32
      %sign3A_285 = arith.constant 0 : i32
      %sign3A_286 = arith.cmpi sgt, %add3A_282, %sign3A_285 : i32
      %sign3A_287 = arith.extui %sign3A_286 : i1 to i32
      %sign3A_288 = arith.constant 0 : i32
      %sign3A_289 = arith.cmpi slt, %add3A_282, %sign3A_288 : i32
      %sign3A_290 = arith.extui %sign3A_289 : i1 to i32
      %sign3A_291 = arith.subi %sign3A_287, %sign3A_290 : i32
      %sign3A_292 = arith.constant 0 : i32
      %sign3A_293 = arith.cmpi sgt, %jit3A_283, %sign3A_292 : i32
      %sign3A_294 = arith.extui %sign3A_293 : i1 to i32
      %sign3A_295 = arith.constant 0 : i32
      %sign3A_296 = arith.cmpi slt, %jit3A_283, %sign3A_295 : i32
      %sign3A_297 = arith.extui %sign3A_296 : i1 to i32
      %sign3A_298 = arith.subi %sign3A_294, %sign3A_297 : i32
      %ne3A_299 = arith.cmpi ne, %sign3A_291, %sign3A_298 : i32
      %rem3A_300 = arith.remsi %add3A_282, %jit3A_283 : i32
      %ne3A_301 = arith.constant 0 : i32
      %ne3A_302 = arith.cmpi ne, %rem3A_300, %ne3A_301 : i32
      %and3A_303 = arith.andi %ne3A_299, %ne3A_302 : i1
      %sub3A_304 = arith.constant 1 : i32
      %sub3A_305 = arith.subi %div3A_284, %sub3A_304 : i32
      %select_n3A_306 = arith.select %and3A_303, %sub3A_305, %div3A_284 : i32
      %dma_wait3A_307 = arith.constant 0 : i32
      %dma_wait3A_308 = tpu.memref_slice %arg5[%add3A_282, %dma_wait3A_307] : memref<104x128xi32, #tpu.memory_space<vmem>> -> memref<1x128xi32, #tpu.memory_space<vmem>>
      %dma_wait3A_309 = tpu.memref_squeeze %dma_wait3A_308 : memref<1x128xi32, #tpu.memory_space<vmem>> -> memref<128xi32, #tpu.memory_space<vmem>>
      %dma_wait3A_310 = arith.constant 0 : i32
      %dma_wait3A_311 = arith.constant 0 : i32
      %dma_wait3A_312 = tpu.memref_slice %arg3[%select_n3A_306, %dma_wait3A_310, %dma_wait3A_311] : memref<26x100000x32xf32, #tpu.memory_space<hbm>> -> memref<1x100000x32xf32, #tpu.memory_space<hbm>>
      %dma_wait3A_313 = tpu.memref_squeeze %dma_wait3A_312 : memref<1x100000x32xf32, #tpu.memory_space<hbm>> -> memref<100000x32xf32, #tpu.memory_space<hbm>>
      %dma_wait3A_314 = arith.constant 0 : i32
      %dma_wait3A_315 = arith.constant 0 : i32
      %dma_wait3A_316 = tpu.memref_slice %dma_wait3A_313[%dma_wait3A_314, %dma_wait3A_315] : memref<100000x32xf32, #tpu.memory_space<hbm>> -> memref<100000x32xf32, #tpu.memory_space<hbm>>
      tpu.wait_indirect_dma semaphore(%arg11 : memref<!tpu.dma_semaphore, #tpu.memory_space<semaphore_mem>>) src(%dma_wait3A_316 : memref<100000x32xf32, #tpu.memory_space<hbm>>) dst(%arg9 : memref<128x32xf32, #tpu.memory_space<vmem>>)
      %add3A_317 = arith.constant 3 : i32
      %add3A_318 = arith.addi %mul3A_57, %add3A_317 : i32
      %jit3A_319 = arith.constant 4 : i32
      %eq3A_320 = arith.constant 0 : i32
      %eq3A_321 = arith.cmpi eq, %jit3A_319, %eq3A_320 : i32
      %jit3A_322 = arith.constant 1 : i32
      %select_n3A_323 = arith.select %eq3A_321, %jit3A_322, %jit3A_319 : i32
      %rem3A_324 = arith.remsi %add3A_318, %select_n3A_323 : i32
      %ne3A_325 = arith.constant 0 : i32
      %ne3A_326 = arith.cmpi ne, %rem3A_324, %ne3A_325 : i32
      %lt3A_327 = arith.constant 0 : i32
      %lt3A_328 = arith.cmpi slt, %rem3A_324, %lt3A_327 : i32
      %lt3A_329 = arith.constant 0 : i32
      %lt3A_330 = arith.cmpi slt, %select_n3A_323, %lt3A_329 : i32
      %ne3A_331 = arith.xori %lt3A_328, %lt3A_330 : i1
      %and3A_332 = arith.andi %ne3A_331, %ne3A_326 : i1
      %add3A_333 = arith.addi %rem3A_324, %select_n3A_323 : i32
      %select_n3A_334 = arith.select %and3A_332, %add3A_333, %rem3A_324 : i32
      %mul3A_335 = arith.constant 128 : i32
      %mul3A_336 = arith.muli %select_n3A_334, %mul3A_335 : i32
      %scan3A_337 = arith.constant 0 : i32
      %scan3A_338 = arith.constant 0 : i32
      %scan3A_339 = arith.constant 16 : i32
      %scan3A_340 = arith.addi %scan3A_338, %scan3A_339 : i32
      %scan3A_341 = arith.constant 1 : i32
      %scan3A_342 = scf.for %scan3A_345 = %scan3A_338 to %scan3A_340 step %scan3A_341 iter_args(%scan3A_346 = %scan3A_337) -> (i32)  : i32 {
        %mul3A_347 = arith.constant 8 : i32
        %mul3A_348 = arith.muli %scan3A_345, %mul3A_347 : i32
        %add3A_349 = arith.constant 0 : i32
        %add3A_350 = arith.addi %mul3A_348, %add3A_349 : i32
        %add3A_351 = arith.addi %mul3A_336, %add3A_350 : i32
        %get3A = arith.index_cast %add3A_350 : i32 to index
        %get3A_352 = arith.constant 0 : index
        %get3A_353 = tpu.vector_load %arg9[%get3A, %get3A_352] {strides = array<i32>} : memref<128x32xf32, #tpu.memory_space<vmem>>, vector<1x16xf32>,
        %get3A_354 = vector.shape_cast %get3A_353 : vector<1x16xf32> to vector<16xf32>
        %swap3A = arith.index_cast %add3A_351 : i32 to index
        %swap3A_355 = arith.constant 0 : index
        %swap3A_356 = tpu.vector_load %arg10[%swap3A, %swap3A_355] {strides = array<i32>} : memref<512x32xf32, #tpu.memory_space<vmem>>, vector<1x16xf32>,
        %swap3A_357 = vector.shape_cast %swap3A_356 : vector<1x16xf32> to vector<16xf32>
        %swap3A_358 = vector.shape_cast %get3A_354 : vector<16xf32> to vector<1x16xf32>
        tpu.vector_store %arg10[%swap3A, %swap3A_355], %swap3A_358 {add = true, strides = array<i32>} : memref<512x32xf32, #tpu.memory_space<vmem>>, vector<1x16xf32>,
        %add3A_359 = arith.addi %mul3A_336, %add3A_350 : i32
        %get3A_360 = arith.index_cast %add3A_350 : i32 to index
        %get3A_361 = arith.constant 16 : index
        %get3A_362 = tpu.vector_load %arg9[%get3A_360, %get3A_361] {strides = array<i32>} : memref<128x32xf32, #tpu.memory_space<vmem>>, vector<1x16xf32>,
        %get3A_363 = vector.shape_cast %get3A_362 : vector<1x16xf32> to vector<16xf32>
        %swap3A_364 = arith.index_cast %add3A_359 : i32 to index
        %swap3A_365 = arith.constant 16 : index
        %swap3A_366 = tpu.vector_load %arg10[%swap3A_364, %swap3A_365] {strides = array<i32>} : memref<512x32xf32, #tpu.memory_space<vmem>>, vector<1x16xf32>,
        %swap3A_367 = vector.shape_cast %swap3A_366 : vector<1x16xf32> to vector<16xf32>
        %swap3A_368 = vector.shape_cast %get3A_363 : vector<16xf32> to vector<1x16xf32>
        tpu.vector_store %arg10[%swap3A_364, %swap3A_365], %swap3A_368 {add = true, strides = array<i32>} : memref<512x32xf32, #tpu.memory_space<vmem>>, vector<1x16xf32>,
        %mul3A_369 = arith.constant 8 : i32
        %mul3A_370 = arith.muli %scan3A_345, %mul3A_369 : i32
        %add3A_371 = arith.constant 1 : i32
        %add3A_372 = arith.addi %mul3A_370, %add3A_371 : i32
        %add3A_373 = arith.addi %mul3A_336, %add3A_372 : i32
        %get3A_374 = arith.index_cast %add3A_372 : i32 to index
        %get3A_375 = arith.constant 0 : index
        %get3A_376 = tpu.vector_load %arg9[%get3A_374, %get3A_375] {strides = array<i32>} : memref<128x32xf32, #tpu.memory_space<vmem>>, vector<1x16xf32>,
        %get3A_377 = vector.shape_cast %get3A_376 : vector<1x16xf32> to vector<16xf32>
        %swap3A_378 = arith.index_cast %add3A_373 : i32 to index
        %swap3A_379 = arith.constant 0 : index
        %swap3A_380 = tpu.vector_load %arg10[%swap3A_378, %swap3A_379] {strides = array<i32>} : memref<512x32xf32, #tpu.memory_space<vmem>>, vector<1x16xf32>,
        %swap3A_381 = vector.shape_cast %swap3A_380 : vector<1x16xf32> to vector<16xf32>
        %swap3A_382 = vector.shape_cast %get3A_377 : vector<16xf32> to vector<1x16xf32>
        tpu.vector_store %arg10[%swap3A_378, %swap3A_379], %swap3A_382 {add = true, strides = array<i32>} : memref<512x32xf32, #tpu.memory_space<vmem>>, vector<1x16xf32>,
        %add3A_383 = arith.addi %mul3A_336, %add3A_372 : i32
        %get3A_384 = arith.index_cast %add3A_372 : i32 to index
        %get3A_385 = arith.constant 16 : index
        %get3A_386 = tpu.vector_load %arg9[%get3A_384, %get3A_385] {strides = array<i32>} : memref<128x32xf32, #tpu.memory_space<vmem>>, vector<1x16xf32>,
        %get3A_387 = vector.shape_cast %get3A_386 : vector<1x16xf32> to vector<16xf32>
        %swap3A_388 = arith.index_cast %add3A_383 : i32 to index
        %swap3A_389 = arith.constant 16 : index
        %swap3A_390 = tpu.vector_load %arg10[%swap3A_388, %swap3A_389] {strides = array<i32>} : memref<512x32xf32, #tpu.memory_space<vmem>>, vector<1x16xf32>,
        %swap3A_391 = vector.shape_cast %swap3A_390 : vector<1x16xf32> to vector<16xf32>
        %swap3A_392 = vector.shape_cast %get3A_387 : vector<16xf32> to vector<1x16xf32>
        tpu.vector_store %arg10[%swap3A_388, %swap3A_389], %swap3A_392 {add = true, strides = array<i32>} : memref<512x32xf32, #tpu.memory_space<vmem>>, vector<1x16xf32>,
        %mul3A_393 = arith.constant 8 : i32
        %mul3A_394 = arith.muli %scan3A_345, %mul3A_393 : i32
        %add3A_395 = arith.constant 2 : i32
        %add3A_396 = arith.addi %mul3A_394, %add3A_395 : i32
        %add3A_397 = arith.addi %mul3A_336, %add3A_396 : i32
        %get3A_398 = arith.index_cast %add3A_396 : i32 to index
        %get3A_399 = arith.constant 0 : index
        %get3A_400 = tpu.vector_load %arg9[%get3A_398, %get3A_399] {strides = array<i32>} : memref<128x32xf32, #tpu.memory_space<vmem>>, vector<1x16xf32>,
        %get3A_401 = vector.shape_cast %get3A_400 : vector<1x16xf32> to vector<16xf32>
        %swap3A_402 = arith.index_cast %add3A_397 : i32 to index
        %swap3A_403 = arith.constant 0 : index
        %swap3A_404 = tpu.vector_load %arg10[%swap3A_402, %swap3A_403] {strides = array<i32>} : memref<512x32xf32, #tpu.memory_space<vmem>>, vector<1x16xf32>,
        %swap3A_405 = vector.shape_cast %swap3A_404 : vector<1x16xf32> to vector<16xf32>
        %swap3A_406 = vector.shape_cast %get3A_401 : vector<16xf32> to vector<1x16xf32>
        tpu.vector_store %arg10[%swap3A_402, %swap3A_403], %swap3A_406 {add = true, strides = array<i32>} : memref<512x32xf32, #tpu.memory_space<vmem>>, vector<1x16xf32>,
        %add3A_407 = arith.addi %mul3A_336, %add3A_396 : i32
        %get3A_408 = arith.index_cast %add3A_396 : i32 to index
        %get3A_409 = arith.constant 16 : index
        %get3A_410 = tpu.vector_load %arg9[%get3A_408, %get3A_409] {strides = array<i32>} : memref<128x32xf32, #tpu.memory_space<vmem>>, vector<1x16xf32>,
        %get3A_411 = vector.shape_cast %get3A_410 : vector<1x16xf32> to vector<16xf32>
        %swap3A_412 = arith.index_cast %add3A_407 : i32 to index
        %swap3A_413 = arith.constant 16 : index
        %swap3A_414 = tpu.vector_load %arg10[%swap3A_412, %swap3A_413] {strides = array<i32>} : memref<512x32xf32, #tpu.memory_space<vmem>>, vector<1x16xf32>,
        %swap3A_415 = vector.shape_cast %swap3A_414 : vector<1x16xf32> to vector<16xf32>
        %swap3A_416 = vector.shape_cast %get3A_411 : vector<16xf32> to vector<1x16xf32>
        tpu.vector_store %arg10[%swap3A_412, %swap3A_413], %swap3A_416 {add = true, strides = array<i32>} : memref<512x32xf32, #tpu.memory_space<vmem>>, vector<1x16xf32>,
        %mul3A_417 = arith.constant 8 : i32
        %mul3A_418 = arith.muli %scan3A_345, %mul3A_417 : i32
        %add3A_419 = arith.constant 3 : i32
        %add3A_420 = arith.addi %mul3A_418, %add3A_419 : i32
        %add3A_421 = arith.addi %mul3A_336, %add3A_420 : i32
        %get3A_422 = arith.index_cast %add3A_420 : i32 to index
        %get3A_423 = arith.constant 0 : index
        %get3A_424 = tpu.vector_load %arg9[%get3A_422, %get3A_423] {strides = array<i32>} : memref<128x32xf32, #tpu.memory_space<vmem>>, vector<1x16xf32>,
        %get3A_425 = vector.shape_cast %get3A_424 : vector<1x16xf32> to vector<16xf32>
        %swap3A_426 = arith.index_cast %add3A_421 : i32 to index
        %swap3A_427 = arith.constant 0 : index
        %swap3A_428 = tpu.vector_load %arg10[%swap3A_426, %swap3A_427] {strides = array<i32>} : memref<512x32xf32, #tpu.memory_space<vmem>>, vector<1x16xf32>,
        %swap3A_429 = vector.shape_cast %swap3A_428 : vector<1x16xf32> to vector<16xf32>
        %swap3A_430 = vector.shape_cast %get3A_425 : vector<16xf32> to vector<1x16xf32>
        tpu.vector_store %arg10[%swap3A_426, %swap3A_427], %swap3A_430 {add = true, strides = array<i32>} : memref<512x32xf32, #tpu.memory_space<vmem>>, vector<1x16xf32>,
        %add3A_431 = arith.addi %mul3A_336, %add3A_420 : i32
        %get3A_432 = arith.index_cast %add3A_420 : i32 to index
        %get3A_433 = arith.constant 16 : index
        %get3A_434 = tpu.vector_load %arg9[%get3A_432, %get3A_433] {strides = array<i32>} : memref<128x32xf32, #tpu.memory_space<vmem>>, vector<1x16xf32>,
        %get3A_435 = vector.shape_cast %get3A_434 : vector<1x16xf32> to vector<16xf32>
        %swap3A_436 = arith.index_cast %add3A_431 : i32 to index
        %swap3A_437 = arith.constant 16 : index
        %swap3A_438 = tpu.vector_load %arg10[%swap3A_436, %swap3A_437] {strides = array<i32>} : memref<512x32xf32, #tpu.memory_space<vmem>>, vector<1x16xf32>,
        %swap3A_439 = vector.shape_cast %swap3A_438 : vector<1x16xf32> to vector<16xf32>
        %swap3A_440 = vector.shape_cast %get3A_435 : vector<16xf32> to vector<1x16xf32>
        tpu.vector_store %arg10[%swap3A_436, %swap3A_437], %swap3A_440 {add = true, strides = array<i32>} : memref<512x32xf32, #tpu.memory_space<vmem>>, vector<1x16xf32>,
        %mul3A_441 = arith.constant 8 : i32
        %mul3A_442 = arith.muli %scan3A_345, %mul3A_441 : i32
        %add3A_443 = arith.constant 4 : i32
        %add3A_444 = arith.addi %mul3A_442, %add3A_443 : i32
        %add3A_445 = arith.addi %mul3A_336, %add3A_444 : i32
        %get3A_446 = arith.index_cast %add3A_444 : i32 to index
        %get3A_447 = arith.constant 0 : index
        %get3A_448 = tpu.vector_load %arg9[%get3A_446, %get3A_447] {strides = array<i32>} : memref<128x32xf32, #tpu.memory_space<vmem>>, vector<1x16xf32>,
        %get3A_449 = vector.shape_cast %get3A_448 : vector<1x16xf32> to vector<16xf32>
        %swap3A_450 = arith.index_cast %add3A_445 : i32 to index
        %swap3A_451 = arith.constant 0 : index
        %swap3A_452 = tpu.vector_load %arg10[%swap3A_450, %swap3A_451] {strides = array<i32>} : memref<512x32xf32, #tpu.memory_space<vmem>>, vector<1x16xf32>,
        %swap3A_453 = vector.shape_cast %swap3A_452 : vector<1x16xf32> to vector<16xf32>
        %swap3A_454 = vector.shape_cast %get3A_449 : vector<16xf32> to vector<1x16xf32>
        tpu.vector_store %arg10[%swap3A_450, %swap3A_451], %swap3A_454 {add = true, strides = array<i32>} : memref<512x32xf32, #tpu.memory_space<vmem>>, vector<1x16xf32>,
        %add3A_455 = arith.addi %mul3A_336, %add3A_444 : i32
        %get3A_456 = arith.index_cast %add3A_444 : i32 to index
        %get3A_457 = arith.constant 16 : index
        %get3A_458 = tpu.vector_load %arg9[%get3A_456, %get3A_457] {strides = array<i32>} : memref<128x32xf32, #tpu.memory_space<vmem>>, vector<1x16xf32>,
        %get3A_459 = vector.shape_cast %get3A_458 : vector<1x16xf32> to vector<16xf32>
        %swap3A_460 = arith.index_cast %add3A_455 : i32 to index
        %swap3A_461 = arith.constant 16 : index
        %swap3A_462 = tpu.vector_load %arg10[%swap3A_460, %swap3A_461] {strides = array<i32>} : memref<512x32xf32, #tpu.memory_space<vmem>>, vector<1x16xf32>,
        %swap3A_463 = vector.shape_cast %swap3A_462 : vector<1x16xf32> to vector<16xf32>
        %swap3A_464 = vector.shape_cast %get3A_459 : vector<16xf32> to vector<1x16xf32>
        tpu.vector_store %arg10[%swap3A_460, %swap3A_461], %swap3A_464 {add = true, strides = array<i32>} : memref<512x32xf32, #tpu.memory_space<vmem>>, vector<1x16xf32>,
        %mul3A_465 = arith.constant 8 : i32
        %mul3A_466 = arith.muli %scan3A_345, %mul3A_465 : i32
        %add3A_467 = arith.constant 5 : i32
        %add3A_468 = arith.addi %mul3A_466, %add3A_467 : i32
        %add3A_469 = arith.addi %mul3A_336, %add3A_468 : i32
        %get3A_470 = arith.index_cast %add3A_468 : i32 to index
        %get3A_471 = arith.constant 0 : index
        %get3A_472 = tpu.vector_load %arg9[%get3A_470, %get3A_471] {strides = array<i32>} : memref<128x32xf32, #tpu.memory_space<vmem>>, vector<1x16xf32>,
        %get3A_473 = vector.shape_cast %get3A_472 : vector<1x16xf32> to vector<16xf32>
        %swap3A_474 = arith.index_cast %add3A_469 : i32 to index
        %swap3A_475 = arith.constant 0 : index
        %swap3A_476 = tpu.vector_load %arg10[%swap3A_474, %swap3A_475] {strides = array<i32>} : memref<512x32xf32, #tpu.memory_space<vmem>>, vector<1x16xf32>,
        %swap3A_477 = vector.shape_cast %swap3A_476 : vector<1x16xf32> to vector<16xf32>
        %swap3A_478 = vector.shape_cast %get3A_473 : vector<16xf32> to vector<1x16xf32>
        tpu.vector_store %arg10[%swap3A_474, %swap3A_475], %swap3A_478 {add = true, strides = array<i32>} : memref<512x32xf32, #tpu.memory_space<vmem>>, vector<1x16xf32>,
        %add3A_479 = arith.addi %mul3A_336, %add3A_468 : i32
        %get3A_480 = arith.index_cast %add3A_468 : i32 to index
        %get3A_481 = arith.constant 16 : index
        %get3A_482 = tpu.vector_load %arg9[%get3A_480, %get3A_481] {strides = array<i32>} : memref<128x32xf32, #tpu.memory_space<vmem>>, vector<1x16xf32>,
        %get3A_483 = vector.shape_cast %get3A_482 : vector<1x16xf32> to vector<16xf32>
        %swap3A_484 = arith.index_cast %add3A_479 : i32 to index
        %swap3A_485 = arith.constant 16 : index
        %swap3A_486 = tpu.vector_load %arg10[%swap3A_484, %swap3A_485] {strides = array<i32>} : memref<512x32xf32, #tpu.memory_space<vmem>>, vector<1x16xf32>,
        %swap3A_487 = vector.shape_cast %swap3A_486 : vector<1x16xf32> to vector<16xf32>
        %swap3A_488 = vector.shape_cast %get3A_483 : vector<16xf32> to vector<1x16xf32>
        tpu.vector_store %arg10[%swap3A_484, %swap3A_485], %swap3A_488 {add = true, strides = array<i32>} : memref<512x32xf32, #tpu.memory_space<vmem>>, vector<1x16xf32>,
        %mul3A_489 = arith.constant 8 : i32
        %mul3A_490 = arith.muli %scan3A_345, %mul3A_489 : i32
        %add3A_491 = arith.constant 6 : i32
        %add3A_492 = arith.addi %mul3A_490, %add3A_491 : i32
        %add3A_493 = arith.addi %mul3A_336, %add3A_492 : i32
        %get3A_494 = arith.index_cast %add3A_492 : i32 to index
        %get3A_495 = arith.constant 0 : index
        %get3A_496 = tpu.vector_load %arg9[%get3A_494, %get3A_495] {strides = array<i32>} : memref<128x32xf32, #tpu.memory_space<vmem>>, vector<1x16xf32>,
        %get3A_497 = vector.shape_cast %get3A_496 : vector<1x16xf32> to vector<16xf32>
        %swap3A_498 = arith.index_cast %add3A_493 : i32 to index
        %swap3A_499 = arith.constant 0 : index
        %swap3A_500 = tpu.vector_load %arg10[%swap3A_498, %swap3A_499] {strides = array<i32>} : memref<512x32xf32, #tpu.memory_space<vmem>>, vector<1x16xf32>,
        %swap3A_501 = vector.shape_cast %swap3A_500 : vector<1x16xf32> to vector<16xf32>
        %swap3A_502 = vector.shape_cast %get3A_497 : vector<16xf32> to vector<1x16xf32>
        tpu.vector_store %arg10[%swap3A_498, %swap3A_499], %swap3A_502 {add = true, strides = array<i32>} : memref<512x32xf32, #tpu.memory_space<vmem>>, vector<1x16xf32>,
        %add3A_503 = arith.addi %mul3A_336, %add3A_492 : i32
        %get3A_504 = arith.index_cast %add3A_492 : i32 to index
        %get3A_505 = arith.constant 16 : index
        %get3A_506 = tpu.vector_load %arg9[%get3A_504, %get3A_505] {strides = array<i32>} : memref<128x32xf32, #tpu.memory_space<vmem>>, vector<1x16xf32>,
        %get3A_507 = vector.shape_cast %get3A_506 : vector<1x16xf32> to vector<16xf32>
        %swap3A_508 = arith.index_cast %add3A_503 : i32 to index
        %swap3A_509 = arith.constant 16 : index
        %swap3A_510 = tpu.vector_load %arg10[%swap3A_508, %swap3A_509] {strides = array<i32>} : memref<512x32xf32, #tpu.memory_space<vmem>>, vector<1x16xf32>,
        %swap3A_511 = vector.shape_cast %swap3A_510 : vector<1x16xf32> to vector<16xf32>
        %swap3A_512 = vector.shape_cast %get3A_507 : vector<16xf32> to vector<1x16xf32>
        tpu.vector_store %arg10[%swap3A_508, %swap3A_509], %swap3A_512 {add = true, strides = array<i32>} : memref<512x32xf32, #tpu.memory_space<vmem>>, vector<1x16xf32>,
        %mul3A_513 = arith.constant 8 : i32
        %mul3A_514 = arith.muli %scan3A_345, %mul3A_513 : i32
        %add3A_515 = arith.constant 7 : i32
        %add3A_516 = arith.addi %mul3A_514, %add3A_515 : i32
        %add3A_517 = arith.addi %mul3A_336, %add3A_516 : i32
        %get3A_518 = arith.index_cast %add3A_516 : i32 to index
        %get3A_519 = arith.constant 0 : index
        %get3A_520 = tpu.vector_load %arg9[%get3A_518, %get3A_519] {strides = array<i32>} : memref<128x32xf32, #tpu.memory_space<vmem>>, vector<1x16xf32>,
        %get3A_521 = vector.shape_cast %get3A_520 : vector<1x16xf32> to vector<16xf32>
        %swap3A_522 = arith.index_cast %add3A_517 : i32 to index
        %swap3A_523 = arith.constant 0 : index
        %swap3A_524 = tpu.vector_load %arg10[%swap3A_522, %swap3A_523] {strides = array<i32>} : memref<512x32xf32, #tpu.memory_space<vmem>>, vector<1x16xf32>,
        %swap3A_525 = vector.shape_cast %swap3A_524 : vector<1x16xf32> to vector<16xf32>
        %swap3A_526 = vector.shape_cast %get3A_521 : vector<16xf32> to vector<1x16xf32>
        tpu.vector_store %arg10[%swap3A_522, %swap3A_523], %swap3A_526 {add = true, strides = array<i32>} : memref<512x32xf32, #tpu.memory_space<vmem>>, vector<1x16xf32>,
        %add3A_527 = arith.addi %mul3A_336, %add3A_516 : i32
        %get3A_528 = arith.index_cast %add3A_516 : i32 to index
        %get3A_529 = arith.constant 16 : index
        %get3A_530 = tpu.vector_load %arg9[%get3A_528, %get3A_529] {strides = array<i32>} : memref<128x32xf32, #tpu.memory_space<vmem>>, vector<1x16xf32>,
        %get3A_531 = vector.shape_cast %get3A_530 : vector<1x16xf32> to vector<16xf32>
        %swap3A_532 = arith.index_cast %add3A_527 : i32 to index
        %swap3A_533 = arith.constant 16 : index
        %swap3A_534 = tpu.vector_load %arg10[%swap3A_532, %swap3A_533] {strides = array<i32>} : memref<512x32xf32, #tpu.memory_space<vmem>>, vector<1x16xf32>,
        %swap3A_535 = vector.shape_cast %swap3A_534 : vector<1x16xf32> to vector<16xf32>
        %swap3A_536 = vector.shape_cast %get3A_531 : vector<16xf32> to vector<1x16xf32>
        tpu.vector_store %arg10[%swap3A_532, %swap3A_533], %swap3A_536 {add = true, strides = array<i32>} : memref<512x32xf32, #tpu.memory_space<vmem>>, vector<1x16xf32>,
        %scan3A_537 = arith.constant 0 : i32
        scf.yield %scan3A_537 : i32
      }
      %scan3A_343 = arith.constant 16 : i32
      %scan3A_344 = arith.constant 0 : i32
      scf.yield %scan3A_344 : i32
    }
    %scan3A_51 = arith.constant 26 : i32
    %mul3A_52 = arith.constant 512 : i32
    %mul3A_53 = arith.muli %add3A, %mul3A_52 : i32
    "tpu.region"() ({
      %run_scoped3A = tpu.sem_alloc : memref<!tpu.dma_semaphore, #tpu.memory_space<semaphore_mem>>
      %dma_start3A_54 = arith.constant 0 : i32
      %dma_start3A_55 = tpu.memref_slice %arg4[%mul3A_53, %dma_start3A_54] : memref<16384x32xf32, #tpu.memory_space<hbm>> -> memref<512x32xf32, #tpu.memory_space<hbm>>
      %dma_start3A_56 = arith.constant 0 : i32
      %dma_start3A_57 = tpu.memref_slice %arg4[%mul3A_53, %dma_start3A_56] : memref<16384x32xf32, #tpu.memory_space<hbm>> -> memref<512x32xf32, #tpu.memory_space<hbm>>
      tpu.enqueue_dma source(%arg10 : memref<512x32xf32, #tpu.memory_space<vmem>>) target(%dma_start3A_57 : memref<512x32xf32, #tpu.memory_space<hbm>>) target_semaphore(%run_scoped3A : memref<!tpu.dma_semaphore, #tpu.memory_space<semaphore_mem>>)
      %dma_wait3A = arith.constant 0 : i32
      %dma_wait3A_58 = tpu.memref_slice %arg4[%mul3A_53, %dma_wait3A] : memref<16384x32xf32, #tpu.memory_space<hbm>> -> memref<512x32xf32, #tpu.memory_space<hbm>>
      %dma_wait3A_59 = arith.constant 0 : i32
      %dma_wait3A_60 = tpu.memref_slice %arg4[%mul3A_53, %dma_wait3A_59] : memref<16384x32xf32, #tpu.memory_space<hbm>> -> memref<512x32xf32, #tpu.memory_space<hbm>>
      tpu.wait_dma2 semaphore(%run_scoped3A : memref<!tpu.dma_semaphore, #tpu.memory_space<semaphore_mem>>) src(%arg10 : memref<512x32xf32, #tpu.memory_space<vmem>>) dst(%dma_wait3A_60 : memref<512x32xf32, #tpu.memory_space<hbm>>)
      tpu.yield
    }) : () -> ()
    return
  }
}

</mosaic_0001>

<sc_bundles>
// kernel: _run.3.cloned.1.call-start
scs
__scs_entry_jumppad:
0x0: {  	(pc) =	sbr.rel $0x88, $3  }
0x1: {  	(tag) =	ssettag $0x0;
	lr =	simm.s32 $0x1  }
0x2: {  	[smem:$0x3F9F] =	sst lr;
	_ =	strace $0xD0000000  }
0x3: {  	_ = 	snop  }
0x4: {  	_ = 	snop  }
0x5: {  	_ = 	snop  }
0x6: {  	_ = 	snop  }
0x7: {  	_ = 	snop  }
__scs_overlays_trampoline_lowered:
0x8: {  	[smem:$0x3FAE] =	sst s0  }
0x9: {  	[smem:$0x3FAF] =	sst s1  }
0xa: {  	[smem:$0x3FB0] =	sst s2  }
0xb: {  	[smem:$0x3FB1] =	sst s3  }
0xc: {  	[smem:$0x3FB2] =	sst s4  }
0xd: {  	[smem:$0x3FB3] =	sst s5  }
0xe: {  	[smem:$0x3FB4] =	sst s6  }
0xf: {  	[smem:$0x3FB5] =	sst s7  }
0x10: {  	[smem:$0x3FB6] =	sst s8  }
0x11: {  	[smem:$0x3FB7] =	sst s9;
	s0 =	simm.s32 @!p0 $0x0  }
0x12: {  	s1 =	sld [smem:$0x3F9D];
	s0 =	simm.s32 @p0 $0x1  }
0x13: {  	[smem:$0x3FB8] =	sst s0;
	s0 =	simm.s32 @!p1 $0x0  }
0x14: {  	s2 =	sld [smem:$0x3F9C];
	s0 =	simm.s32 @p1 $0x1  }
0x15: {  	[smem:$0x3FB9] =	sst s0;
	s0 =	simm.s32 @!p2 $0x0  }
0x16: {  	s3 =	sld [smem:$0x3FDB];
	s0 =	simm.s32 @p2 $0x1  }
0x17: {  	s4 =	simm.s32 $0x1BF5;
	[smem:$0x3FBB] =	sst s0  }
0x18: {  	s0 =	sld [smem:$0x3F9E];
	_ =	swait.ge [sflag:s4], $0x0  }
0x19: {  	s7 =	sld [smem:$0x3F9F]  }
0x1a: {  	s8 =	sadd.s32 $0xFFFFE003, lr  }
0x1b: {  	s9 =	sadd.s32 $0xFFFFFEF7, lr;
	s5 =	simm.s32 $0xFFFFFFFF;
	p2 =	slt.u32 s8, $0xFFFFF086  }
0x1c: {  	p1 =	slt.u32 s9, $0xF7A;
	s5 =	simm.s32 @!p2 $0x0  }
0x1d: {  	s5 =	simm.s32 @p1 $0x1;
	p0 =	seq.s32 s7, s2  }
0x1e: {  	s7 =	smul.u32 @!p0 $0xF7A, s2;
	p2 =	seq.s32 @!p0 s5, $0x0  }
0x1f: {  	s9 =	smul.u32 $0xF7A, s1;
	s8 =	simm.s32 @!p0 $0x1BF5;
	p2 =	por !p2, p0  }
0x20: {  	[sflag:s8] =	ssyncset.s32 @!p0 $0xFFFFF086;
	s6 =	sadd.s32 @!p0 s3, s7;
	s7 =	simm.s32 @!p0 $0x108  }
0x21: {  	s3 =	sadd.s32 s3, s9;
	s6 =	sadd.s32 @!p0 $0x88, s6;
	s7 =	simm.s32 @p2 $0x1082  }
0x22: {  	[simem:s7], [sflag:s8] =	dma.local @!p0 [hbm:s6], $0xF7A  }
0x23: {  	s9 =	sor.u32 $0xD0000000, s2;
	s6 =	simm.s32 $0x108;
	_ =	swait.ge @!p0 [sflag:s8], $0x0  }
0x24: {  	s3 =	sadd.s32 $0x88, s3;
	s6 =	simm.s32 @!p1 $0x1082;
	[sflag:s4] =	ssyncset.s32 $0xFFFFF086  }
0x25: {  	[simem:s6], [sflag:s4] =	dma.local [hbm:s3], $0xF7A  }
0x26: {  	[smem:$0x3F9F] =	sst s1;
	(tag) =	ssettag s2;
	_ =	strace s9  }
0x27: {  	s1 =	sld [smem:$0x3FAF]  }
0x28: {  	s2 =	sld [smem:$0x3FB0]  }
0x29: {  	s4 =	sld [smem:$0x3FB2]  }
0x2a: {  	p0 =	seq.s32 s5, $0x0;
	s5 =	sld [smem:$0x3FB3]  }
0x2b: {  	s6 =	sld [smem:$0x3FB4]  }
0x2c: {  	s7 =	sld [smem:$0x3FB5]  }
0x2d: {  	s3 =	simm.s32 $0x108;
	s8 =	sld [smem:$0x3FB6]  }
0x2e: {  	s3 =	simm.s32 @!p0 $0x1082;
	s9 =	sld [smem:$0x3FB7]  }
0x2f: {  	lr =	sadd.s32 s0, s3;
	s0 =	sld [smem:$0x3FAE]  }
0x30: {  	s3 =	sld [smem:$0x3FB1]  }
0x31: {  	[smem:$0x3FBA] =	sst s10  }
0x32: {  	s10 =	sld [smem:$0x3FB8];
	_ =	sdelay $0x3  }
0x33: {  	p0 =	seq.s32 s10, $0x1;
	s10 =	sld [smem:$0x3FBA];
	_ =	sdelay $0x3  }
0x34: {  	[smem:$0x3FBA] =	sst s10  }
0x35: {  	s10 =	sld [smem:$0x3FB9];
	_ =	sdelay $0x3  }
0x36: {  	p1 =	seq.s32 s10, $0x1;
	s10 =	sld [smem:$0x3FBA];
	_ =	sdelay $0x3  }
0x37: {  	[smem:$0x3FBA] =	sst s10  }
0x38: {  	s10 =	sld [smem:$0x3FBB]  }
0x39: {  	_ = 	snop;
	(pc) =	sbr.ind lr, $3  }
0x3a: {  	_ = 	snop  }
0x3b: {  	_ = 	snop  }
0x3c: {  	p2 =	seq.s32 s10, $0x1;
	s10 =	sld [smem:$0x3FBA]  }
0x3d: {  	_ =	shalt  }
0x3e: {  	_ =	shalt  }
0x3f: {  	_ =	shalt  }
0x40: {  	_ =	shalt  }
0x41: {  	_ =	shalt  }
0x42: {  	_ =	shalt  }
0x43: {  	_ =	shalt  }
0x44: {  	_ =	shalt  }
0x45: {  	_ =	shalt  }
0x46: {  	_ =	shalt  }
0x47: {  	_ =	shalt  }
0x48: {  	_ =	shalt  }
0x49: {  	_ =	shalt  }
0x4a: {  	_ =	shalt  }
0x4b: {  	_ =	shalt  }
0x4c: {  	_ =	shalt  }
0x4d: {  	_ =	shalt  }
0x4e: {  	_ =	shalt  }
0x4f: {  	_ =	shalt  }
0x50: {  	_ =	shalt  }
0x51: {  	_ =	shalt  }
0x52: {  	_ =	shalt  }
0x53: {  	_ =	shalt  }
0x54: {  	_ =	shalt  }
0x55: {  	_ =	shalt  }
0x56: {  	_ =	shalt  }
0x57: {  	_ =	shalt  }
0x58: {  	_ =	shalt  }
0x59: {  	_ =	shalt  }
0x5a: {  	_ =	shalt  }
0x5b: {  	_ =	shalt  }
0x5c: {  	_ =	shalt  }
0x5d: {  	_ =	shalt  }
0x5e: {  	_ =	shalt  }
0x5f: {  	_ =	shalt  }
0x60: {  	_ =	shalt  }
0x61: {  	_ =	shalt  }
0x62: {  	_ =	shalt  }
0x63: {  	_ =	shalt  }
0x64: {  	_ =	shalt  }
0x65: {  	_ =	shalt  }
0x66: {  	_ =	shalt  }
0x67: {  	_ =	shalt  }
0x68: {  	_ =	shalt  }
0x69: {  	_ =	shalt  }
0x6a: {  	_ =	shalt  }
0x6b: {  	_ =	shalt  }
0x6c: {  	_ =	shalt  }
0x6d: {  	_ =	shalt  }
0x6e: {  	_ =	shalt  }
0x6f: {  	_ =	shalt  }
0x70: {  	_ =	shalt  }
0x71: {  	_ =	shalt  }
0x72: {  	_ =	shalt  }
0x73: {  	_ =	shalt  }
0x74: {  	_ =	shalt  }
0x75: {  	_ =	shalt  }
0x76: {  	_ =	shalt  }
0x77: {  	_ =	shalt  }
0x78: {  	_ =	shalt  }
0x79: {  	_ =	shalt  }
0x7a: {  	_ =	shalt  }
0x7b: {  	_ =	shalt  }
0x7c: {  	_ =	shalt  }
0x7d: {  	_ =	shalt  }
0x7e: {  	_ =	shalt  }
0x7f: {  	_ =	shalt  }
0x80: {  	_ =	shalt  }
0x81: {  	_ =	shalt  }
0x82: {  	_ =	shalt  }
0x83: {  	_ =	shalt  }
0x84: {  	_ =	shalt  }
0x85: {  	_ =	shalt  }
0x86: {  	_ =	shalt  }
0x87: {  	_ =	shalt  }
.Lfunc_end0:
.L_simem_size_0:
called_computation_lowered:
.L_overlay_start_0:
0x88: {  	s2 =	sld [smem:$0x3FD9]  }
0x89: {  	s3 =	sld [smem:$0x3FFE];
	_ =	sdelay $0x1  }
0x8a: {  	s1 =	srdreg.scid  }
0x8b: {  	s0 =	sand.u32 $0x1, s1  }
0x8c: {  	s17 =	sshll.u32 s0, $0xA;
	s2 =	sadd.s32 s3, s2  }
0x8d: {  	s2 =	sadd.s32 s2, s17  }
0x8e: {  	[smem:$0x3FC6] =	sst s2  }
0x8f: {  	_ = 	snop  }
0x90: {  	s2 =	sld [smem:$0x3FC9]  }
0x91: {  	s18 =	sld [smem:$0x3FD0];
	(tm) =	ssettm $0x1  }
0x92: {  	s4 =	sld [smem:$0x3FFB];
	_ =	sdelay $0x3  }
0x93: {  	_ =	strace s4  }
0x94: {  	s4 =	sld [smem:$0x3FFC];
	_ =	sdelay $0x3  }
0x95: {  	_ =	strace s4  }
0x96: {  	s4 =	sld [smem:$0x3FFD];
	_ =	sdelay $0x3  }
0x97: {  	_ =	strace s4  }
0x98: {  	_ =	strace $0x8FFFFFFF  }
0x99: {  	s19 =	sld [smem:$0x3FDB];
	_ =	sdelay $0x1  }
0x9a: {  	s5 =	simm.s32 $_scs_section_size  }
0x9b: {  	s6 =	simm.s32 $_size__tile_overlayer_lowered;
	s7 =	simm.s32 $_tile_overlayer_lowered  }
0x9c: {  	s22 =	simm.s32 $0x1BFF;
	s21 =	sshll.u32 s7, $0x1;
	s4 =	sadd.s32 s5, s19  }
0x9d: {  	s8 =	simm.s32 $0x0;
	s20 =	sshll.u32 s6, $0x1;
	s6 =	sadd.s32 s21, s4  }
0x9e: {  	[timem:s8], [sflag:s22] =	dma.local [hbm:s6], s20  }
0x9f: {  	_ =	swait.ge [sflag:s22], s20  }
0xa0: {  	s5 =	ssub.s32 $0x0, s20;
	[sflag:s22] =	ssyncset.done $0x0  }
0xa1: {  	[sflag:s22] =	ssyncadd.s32 s5;
	_ =	sdelay $0x1  }
0xa2: {  	s23 =	simm.s32 $0x1B8B  }
0xa3: {  	_ =	swait.ge [sflag:s23], $0x1  }
0xa4: {  	[sflag:s23] =	ssyncset.done $0x0  }
0xa5: {  	s25 =	simm.s32 $0x1B8E;
	s24 =	sld [smem:$0x3FFE];
	[sflag:s23] =	ssyncadd.s32 $0xFFFFFFFF  }
0xa6: {  	s26 =	simm.s32 $execute0_lowered;
	[smem:$0x3FD2] =	sst s25  }
0xa7: {  	s6 =	sshll.u32 s26, $0x1;
	_ =	strace $0x80000046;
	[dreg:$0x1] =	wrdreg $0xFFFFFFFF  }
0xa8: {  	s28 =	simm.s32 $_size_execute0_lowered;
	s4 =	sadd.s32 s4, s6;
	[dreg:$0x0] =	wrdreg $0x0  }
0xa9: {  	s6 =	sshll.u32 s28, $0x1;
	[dreg:$0x2] =	wrdreg s4  }
0xaa: {  	[dreg:$0x3] =	wrdreg s6  }
0xab: {  	[dreg:$0x4] =	wrdreg $0xC0  }
0xac: {  	_ =	task [dreg:s8], $0x5FFFF  }
0xad: {  	[dreg:$0x1] =	wrdreg $0xFFFFFFFF  }
0xae: {  	[dreg:$0x0] =	wrdreg $0x60  }
0xaf: {  	[dreg:$0x2] =	wrdreg s2  }
0xb0: {  	[dreg:$0x3] =	wrdreg s24  }
0xb1: {  	[dreg:$0x4] =	wrdreg s18  }
0xb2: {  	[dreg:$0x5] =	wrdreg $0x9  }
0xb3: {  	_ =	task.clear_ibuf [dreg:s8], $0x6FFFF;
	_ =	strace $0x90000046  }
0xb4: {  	s29 =	simm.s32 $0x9;
	_ =	strace $0x80000048  }
0xb5: {  	_ =	swait.ge [sflag:s29], $0x1  }
0xb6: {  	[sflag:s29] =	ssyncadd.s32 $0xFFFFFFFF  }
0xb7: {  	_ =	strace $0x90000048  }
0xb8: {  	_ =	sfence  }
0xb9: {  	s30 =	sld [smem:$0x0];
	_ =	sdelay $0x2  }
0xba: {  	s31 =	sshll.u32 s1, $0xD;
	s1 =	sshrl.u32 s1, $0x2  }
0xbb: {  	s3 =	sand.u32 $0x4000, s31;
	s1 =	sadd.s32 s1, s30  }
0xbc: {  	s0 =	sor.u32 s3, s0;
	s1 =	sshll.u32 s1, $0x11  }
0xbd: {  	s0 =	sor.u32 s1, s0  }
0xbe: {  	s0 =	sadd.s32 $0x8F2B, s0  }
0xbf: {  	[sflag:s0] =	ssyncadd.remote.s32 $0x1  }
0xc0: {  	_ =	sfence.sel $0xFFFF  }
0xc1: {  	[dreg:$0x0] =	wrdreg $0xFFFFFFFF;
	(pc) =	sbr.abs _section_cstart, $3  }
0xc2: {  	[dreg:$0x1] =	wrdreg $0xFFFFFFFF  }
0xc3: {  	_ =	task.clear_ibuf [dreg:s8], $0x2FFFF;
	_ =	strace $0x9FFFFFFF  }
0xc4: {  	(tm) =	ssettm $0x7FFFFFFF  }
0xc5: {  	_ =	shalt  }
tec
execute0_lowered:
.L_overlay_start_1:
0x0: {  	(tag) =	ssettag $0x1  }
0x1: {  	s4 =	rddreg [dreg:$0x0]  }
0x2: {  	s3 =	rddreg [dreg:$0x1]  }
0x3: {  	s1 =	srdreg.scid;
	s0 =	stileid.u32  }
0x4: {  	s5 =	rddreg [dreg:$0x2];
	s2 =	simm.s32 $0x0;
	s10 =	simm.s32 $0x4400  }
0x5: {  	s11 =	simm.s32 $0x100;
	s12 =	simm.s32 $0x5400;
	s13 =	simm.s32 $0x6400  }
0x6: {  	s14 =	simm.s32 $0x1;
	s15 =	simm.s32 $0x7400;
	s16 =	simm.s32 $0x0  }
0x7: {  	s6 =	sand.u32 $0x1, s1;
	s7 =	sshll.u32 s0, $0x1;
	s1 =	rddreg [dreg:$0x3]  }
0x8: {  	[smem:$0x7FF] =	sst s2;
	s7 =	sor.u32 s6, s7;
	s6 =	ssub.s32 $0x2, s6  }
0x9: {  	s3 =	sadd.s32 $0x27AC800, s3;
	_ =	strace $0x80000047;
	s9 =	sshrl.u32 s6, $0x1  }
0xa: {  	s8 =	smul.u32 $0x680, s7;
	s7 =	sshll.u32 s7, $0xB;
	s6 =	ssub.s32 s6, s9  }
0xb: {  	s5 =	sadd.s32 s5, s7;
	s7 =	simm.s32 $0x2;
	s9 =	simm.s32 $0x3400  }
0xc: {  	v0 =	vimm.f32 $0.0e+00;
	s4 =	sadd.s32 s4, s8;
	s6 =	smax.u32 s6, $0x1;
	s8 =	simm.s32 $0x80  }
.LBB2_1:
0xd: {  	[tilespmem:s2], [sflag:$0x2] =	stream.linear.gather [hbm4b:s4+s2], $0x3400, $0x38;
	[tilespmem:$0xB400] =	vst v63  }
0xe: {  	_ =	swait.ge [sflag:s7], $0x3400  }
0xf: {  	[sflag:s7] =	ssyncset.done $0x0  }
0x10: {  	s17 =	simm.s32 $0x80;
	s18 =	simm.s32 $0x0;
	[sflag:s7] =	ssyncadd.s32 $0xFFFFCC00  }
.LBB2_2:
0x11: {  	p0 =	sne.s32 s17, $0xFF80;
	[tilespmem:s18+$0x7400] =	vst v0;
	s19 =	smov.u32 s17;
	s17 =	sadd.s32 $0x80, s17  }
.Ltmp0:
0x12: {  	[tilespmem:s18+$0x7410] =	vst v0;
	(pc) =	sbr.rel @p0 .LBB2_2-.Ltmp0, $2  }
0x13: {  	_ =	sdelay $0x2  }
0x14: {  	s18 =	sshra.s32 s19, $0x2  }
0x15: {  	[tilespmem:s18+$0x7400] =	vst v0  }
0x16: {  	[tilespmem:s18+$0x7410] =	vst v0;
	s17 =	simm.s32 $0x0  }
0x17: {  	[tilespmem:s9], [sflag:$0x1] =	stream.indirect.gather [hbm4b:s3+s8], $0x20, s17, s8, $0xb8;
	[tilespmem:$0xB400] =	vst v63  }
0x18: {  	_ = 	snop  }
0x19: {  	[tilespmem:s10], [sflag:$0x1] =	stream.indirect.gather [hbm4b:s3+s8], $0x20, s8, s8, $0xb8;
	[tilespmem:$0xB400] =	vst v63  }
0x1a: {  	_ = 	snop  }
0x1b: {  	[tilespmem:s12], [sflag:$0x1] =	stream.indirect.gather [hbm4b:s3+s8], $0x20, s11, s8, $0xb8;
	[tilespmem:$0xB400] =	vst v63  }
.LBB2_4:
0x1c: {  	s18 =	sshll.u32 s17, $0x9;
	s19 =	smul.u32 $0x61A80, s17  }
0x1d: {  	s18 =	sand.u32 $0x3FFFFE00, s18  }
0x1e: {  	s18 =	sor.u32 $0x180, s18;
	s19 =	sadd.s32 s3, s19  }
0x1f: {  	[tilespmem:s13], [sflag:$0x1] =	stream.indirect.gather [hbm4b:s19+s8], $0x20, s18, s8, $0xb8;
	[tilespmem:$0xB400] =	vst v63  }
0x20: {  	_ =	swait.ge [sflag:s14], $0x1000  }
0x21: {  	[sflag:s14] =	ssyncset.done $0x0  }
0x22: {  	s19 =	simm.s32 $0x0;
	s18 =	simm.s32 $0x400;
	[sflag:s14] =	ssyncadd.s32 $0xFFFFF000  }
.LBB2_5:
0x23: {  	p0 =	sne.s32 s18, $0x3C00;
	v1 =	vld [tilespmem:s19+$0x34F0]  }
0x24: {  	v2 =	vld [tilespmem:s19+$0x3400]  }
0x25: {  	v3 =	vld [tilespmem:s19+$0x3410]  }
0x26: {  	v4 =	vld [tilespmem:s19+$0x3420]  }
0x27: {  	v5 =	vld [tilespmem:s19+$0x3430]  }
0x28: {  	[tilespmem:s19+$0x74F0] =	vst.add.f32.msk $0xffff, v1  }
0x29: {  	v1 =	vld [tilespmem:s19+$0x3440]  }
0x2a: {  	v6 =	vld [tilespmem:s19+$0x3450]  }
0x2b: {  	v7 =	vld [tilespmem:s19+$0x3460]  }
0x2c: {  	v8 =	vld [tilespmem:s19+$0x3470]  }
0x2d: {  	v9 =	vld [tilespmem:s19+$0x3480]  }
0x2e: {  	v10 =	vld [tilespmem:s19+$0x3490]  }
0x2f: {  	v11 =	vld [tilespmem:s19+$0x34A0]  }
0x30: {  	v12 =	vld [tilespmem:s19+$0x34B0]  }
0x31: {  	v13 =	vld [tilespmem:s19+$0x34C0]  }
0x32: {  	v14 =	vld [tilespmem:s19+$0x34D0]  }
0x33: {  	v15 =	vld [tilespmem:s19+$0x34E0]  }
0x34: {  	[tilespmem:s19+$0x7400] =	vst.add.f32.msk $0xffff, v2  }
0x35: {  	[tilespmem:s19+$0x7410] =	vst.add.f32.msk $0xffff, v3  }
0x36: {  	[tilespmem:s19+$0x7420] =	vst.add.f32.msk $0xffff, v4  }
0x37: {  	[tilespmem:s19+$0x7430] =	vst.add.f32.msk $0xffff, v5  }
0x38: {  	[tilespmem:s19+$0x7440] =	vst.add.f32.msk $0xffff, v1  }
0x39: {  	[tilespmem:s19+$0x7450] =	vst.add.f32.msk $0xffff, v6  }
0x3a: {  	[tilespmem:s19+$0x7460] =	vst.add.f32.msk $0xffff, v7  }
0x3b: {  	[tilespmem:s19+$0x7470] =	vst.add.f32.msk $0xffff, v8  }
0x3c: {  	[tilespmem:s19+$0x7480] =	vst.add.f32.msk $0xffff, v9  }
0x3d: {  	[tilespmem:s19+$0x7490] =	vst.add.f32.msk $0xffff, v10  }
.Ltmp1:
0x3e: {  	[tilespmem:s19+$0x74A0] =	vst.add.f32.msk $0xffff, v11;
	(pc) =	sbr.rel @p0 .LBB2_5-.Ltmp1, $4  }
0x3f: {  	[tilespmem:s19+$0x74B0] =	vst.add.f32.msk $0xffff, v12  }
0x40: {  	[tilespmem:s19+$0x74C0] =	vst.add.f32.msk $0xffff, v13  }
0x41: {  	[tilespmem:s19+$0x74D0] =	vst.add.f32.msk $0xffff, v14  }
0x42: {  	[tilespmem:s19+$0x74E0] =	vst.add.f32.msk $0xffff, v15;
	s19 =	sshra.s32 s18, $0x2;
	s18 =	sadd.s32 $0x400, s18  }
0x43: {  	v1 =	vld [tilespmem:s19+$0x34F0]  }
0x44: {  	v2 =	vld [tilespmem:s19+$0x3400]  }
0x45: {  	v3 =	vld [tilespmem:s19+$0x3410]  }
0x46: {  	v4 =	vld [tilespmem:s19+$0x3420]  }
0x47: {  	v5 =	vld [tilespmem:s19+$0x3430]  }
0x48: {  	v6 =	vld [tilespmem:s19+$0x3450]  }
0x49: {  	v7 =	vld [tilespmem:s19+$0x3460]  }
0x4a: {  	v8 =	vld [tilespmem:s19+$0x3470]  }
0x4b: {  	v9 =	vld [tilespmem:s19+$0x3480]  }
0x4c: {  	v10 =	vld [tilespmem:s19+$0x3490]  }
0x4d: {  	v11 =	vld [tilespmem:s19+$0x34A0]  }
0x4e: {  	v12 =	vld [tilespmem:s19+$0x34B0]  }
0x4f: {  	v13 =	vld [tilespmem:s19+$0x34C0]  }
0x50: {  	v14 =	vld [tilespmem:s19+$0x34D0]  }
0x51: {  	v15 =	vld [tilespmem:s19+$0x34E0]  }
0x52: {  	[tilespmem:s19+$0x74F0] =	vst.add.f32.msk $0xffff, v1  }
0x53: {  	v1 =	vld [tilespmem:s19+$0x3440]  }
0x54: {  	[tilespmem:s19+$0x7400] =	vst.add.f32.msk $0xffff, v2  }
0x55: {  	[tilespmem:s19+$0x7410] =	vst.add.f32.msk $0xffff, v3  }
0x56: {  	[tilespmem:s19+$0x7420] =	vst.add.f32.msk $0xffff, v4  }
0x57: {  	[tilespmem:s19+$0x7430] =	vst.add.f32.msk $0xffff, v5  }
0x58: {  	[tilespmem:s19+$0x7450] =	vst.add.f32.msk $0xffff, v6  }
0x59: {  	[tilespmem:s19+$0x7460] =	vst.add.f32.msk $0xffff, v7  }
0x5a: {  	[tilespmem:s19+$0x7470] =	vst.add.f32.msk $0xffff, v8  }
0x5b: {  	[tilespmem:s19+$0x7480] =	vst.add.f32.msk $0xffff, v9  }
0x5c: {  	[tilespmem:s19+$0x7490] =	vst.add.f32.msk $0xffff, v10  }
0x5d: {  	s18 =	sshll.u32 s17, $0x2;
	p0 =	seq.s32 s17, $0x19;
	[tilespmem:s19+$0x74A0] =	vst.add.f32.msk $0xffff, v11  }
0x5e: {  	s20 =	sadd.s32 @!p0 $0x4, s18;
	[tilespmem:s19+$0x74B0] =	vst.add.f32.msk $0xffff, v12  }
0x5f: {  	s21 =	sshrl.u32 @!p0 s20, $0x2;
	[tilespmem:s19+$0x74C0] =	vst.add.f32.msk $0xffff, v13  }
0x60: {  	s21 =	smul.u32 @!p0 $0x61A80, s21;
	[tilespmem:s19+$0x74D0] =	vst.add.f32.msk $0xffff, v14  }
0x61: {  	s22 =	simm.s32 @!p0 $0x3400;
	s20 =	sshll.u32 @!p0 s20, $0x7;
	[tilespmem:s19+$0x74E0] =	vst.add.f32.msk $0xffff, v15  }
0x62: {  	s20 =	sand.u32 @!p0 $0x3FFFFF80, s20;
	[tilespmem:s19+$0x7440] =	vst.add.f32.msk $0xffff, v1;
	s19 =	sadd.s32 @!p0 s3, s21;
	s21 =	simm.s32 @!p0 $0x80  }
0x63: {  	[tilespmem:s22], [sflag:$0x1] =	stream.indirect.gather @!p0 [hbm4b:s19+s21], $0x20, s20, s21, $0xb8;
	[tilespmem:$0xB400] =	vst v63  }
0x64: {  	_ =	swait.ge [sflag:s14], $0x1000  }
0x65: {  	[sflag:s14] =	ssyncset.done $0x0  }
0x66: {  	s19 =	simm.s32 $0x0;
	s20 =	simm.s32 $0x400;
	[sflag:s14] =	ssyncadd.s32 $0xFFFFF000  }
.LBB2_7:
0x67: {  	p1 =	sne.s32 s20, $0x3C00;
	v1 =	vld [tilespmem:s19+$0x44F0]  }
0x68: {  	v2 =	vld [tilespmem:s19+$0x4400]  }
0x69: {  	v3 =	vld [tilespmem:s19+$0x4410]  }
0x6a: {  	v4 =	vld [tilespmem:s19+$0x4420]  }
0x6b: {  	v5 =	vld [tilespmem:s19+$0x4430]  }
0x6c: {  	[tilespmem:s19+$0x84F0] =	vst.add.f32.msk $0xffff, v1  }
0x6d: {  	v1 =	vld [tilespmem:s19+$0x4440]  }
0x6e: {  	v6 =	vld [tilespmem:s19+$0x4450]  }
0x6f: {  	v7 =	vld [tilespmem:s19+$0x4460]  }
0x70: {  	v8 =	vld [tilespmem:s19+$0x4470]  }
0x71: {  	v9 =	vld [tilespmem:s19+$0x4480]  }
0x72: {  	v10 =	vld [tilespmem:s19+$0x4490]  }
0x73: {  	v11 =	vld [tilespmem:s19+$0x44A0]  }
0x74: {  	v12 =	vld [tilespmem:s19+$0x44B0]  }
0x75: {  	v13 =	vld [tilespmem:s19+$0x44C0]  }
0x76: {  	v14 =	vld [tilespmem:s19+$0x44D0]  }
0x77: {  	v15 =	vld [tilespmem:s19+$0x44E0]  }
0x78: {  	[tilespmem:s19+$0x8400] =	vst.add.f32.msk $0xffff, v2  }
0x79: {  	[tilespmem:s19+$0x8410] =	vst.add.f32.msk $0xffff, v3  }
0x7a: {  	[tilespmem:s19+$0x8420] =	vst.add.f32.msk $0xffff, v4  }
0x7b: {  	[tilespmem:s19+$0x8430] =	vst.add.f32.msk $0xffff, v5  }
0x7c: {  	[tilespmem:s19+$0x8440] =	vst.add.f32.msk $0xffff, v1  }
0x7d: {  	[tilespmem:s19+$0x8450] =	vst.add.f32.msk $0xffff, v6  }
0x7e: {  	[tilespmem:s19+$0x8460] =	vst.add.f32.msk $0xffff, v7  }
0x7f: {  	[tilespmem:s19+$0x8470] =	vst.add.f32.msk $0xffff, v8  }
0x80: {  	[tilespmem:s19+$0x8480] =	vst.add.f32.msk $0xffff, v9  }
0x81: {  	[tilespmem:s19+$0x8490] =	vst.add.f32.msk $0xffff, v10  }
.Ltmp2:
0x82: {  	[tilespmem:s19+$0x84A0] =	vst.add.f32.msk $0xffff, v11;
	(pc) =	sbr.rel @p1 .LBB2_7-.Ltmp2, $4  }
0x83: {  	[tilespmem:s19+$0x84B0] =	vst.add.f32.msk $0xffff, v12  }
0x84: {  	[tilespmem:s19+$0x84C0] =	vst.add.f32.msk $0xffff, v13  }
0x85: {  	[tilespmem:s19+$0x84D0] =	vst.add.f32.msk $0xffff, v14  }
0x86: {  	[tilespmem:s19+$0x84E0] =	vst.add.f32.msk $0xffff, v15;
	s19 =	sshra.s32 s20, $0x2;
	s20 =	sadd.s32 $0x400, s20  }
0x87: {  	v1 =	vld [tilespmem:s19+$0x44F0]  }
0x88: {  	v2 =	vld [tilespmem:s19+$0x4400]  }
0x89: {  	v3 =	vld [tilespmem:s19+$0x4410]  }
0x8a: {  	v4 =	vld [tilespmem:s19+$0x4420]  }
0x8b: {  	v5 =	vld [tilespmem:s19+$0x4430]  }
0x8c: {  	v6 =	vld [tilespmem:s19+$0x4450]  }
0x8d: {  	v7 =	vld [tilespmem:s19+$0x4460]  }
0x8e: {  	v8 =	vld [tilespmem:s19+$0x4470]  }
0x8f: {  	v9 =	vld [tilespmem:s19+$0x4480]  }
0x90: {  	v10 =	vld [tilespmem:s19+$0x4490]  }
0x91: {  	v11 =	vld [tilespmem:s19+$0x44A0]  }
0x92: {  	v12 =	vld [tilespmem:s19+$0x44B0]  }
0x93: {  	v13 =	vld [tilespmem:s19+$0x44C0]  }
0x94: {  	v14 =	vld [tilespmem:s19+$0x44D0]  }
0x95: {  	v15 =	vld [tilespmem:s19+$0x44E0]  }
0x96: {  	[tilespmem:s19+$0x84F0] =	vst.add.f32.msk $0xffff, v1  }
0x97: {  	v1 =	vld [tilespmem:s19+$0x4440]  }
0x98: {  	[tilespmem:s19+$0x8400] =	vst.add.f32.msk $0xffff, v2  }
0x99: {  	[tilespmem:s19+$0x8410] =	vst.add.f32.msk $0xffff, v3  }
0x9a: {  	[tilespmem:s19+$0x8420] =	vst.add.f32.msk $0xffff, v4  }
0x9b: {  	[tilespmem:s19+$0x8430] =	vst.add.f32.msk $0xffff, v5  }
0x9c: {  	[tilespmem:s19+$0x8450] =	vst.add.f32.msk $0xffff, v6  }
0x9d: {  	[tilespmem:s19+$0x8460] =	vst.add.f32.msk $0xffff, v7  }
0x9e: {  	[tilespmem:s19+$0x8470] =	vst.add.f32.msk $0xffff, v8  }
0x9f: {  	[tilespmem:s19+$0x8480] =	vst.add.f32.msk $0xffff, v9  }
0xa0: {  	[tilespmem:s19+$0x8490] =	vst.add.f32.msk $0xffff, v10  }
0xa1: {  	[tilespmem:s19+$0x84A0] =	vst.add.f32.msk $0xffff, v11  }
0xa2: {  	s20 =	sadd.s32 @!p0 $0x5, s18;
	[tilespmem:s19+$0x84B0] =	vst.add.f32.msk $0xffff, v12  }
0xa3: {  	s21 =	sshrl.u32 @!p0 s20, $0x2;
	[tilespmem:s19+$0x84C0] =	vst.add.f32.msk $0xffff, v13  }
0xa4: {  	s21 =	smul.u32 @!p0 $0x61A80, s21;
	[tilespmem:s19+$0x84D0] =	vst.add.f32.msk $0xffff, v14  }
0xa5: {  	s22 =	simm.s32 @!p0 $0x4400;
	s20 =	sshll.u32 @!p0 s20, $0x7;
	[tilespmem:s19+$0x84E0] =	vst.add.f32.msk $0xffff, v15  }
0xa6: {  	s20 =	sand.u32 @!p0 $0x3FFFFF80, s20;
	[tilespmem:s19+$0x8440] =	vst.add.f32.msk $0xffff, v1;
	s19 =	sadd.s32 @!p0 s3, s21;
	s21 =	simm.s32 @!p0 $0x80  }
0xa7: {  	[tilespmem:s22], [sflag:$0x1] =	stream.indirect.gather @!p0 [hbm4b:s19+s21], $0x20, s20, s21, $0xb8;
	[tilespmem:$0xB400] =	vst v63  }
0xa8: {  	_ =	swait.ge [sflag:s14], $0x1000  }
0xa9: {  	[sflag:s14] =	ssyncset.done $0x0  }
0xaa: {  	s19 =	simm.s32 $0x0;
	s20 =	simm.s32 $0x400;
	[sflag:s14] =	ssyncadd.s32 $0xFFFFF000  }
.LBB2_9:
0xab: {  	p1 =	sne.s32 s20, $0x3C00;
	v1 =	vld [tilespmem:s19+$0x54F0]  }
0xac: {  	v2 =	vld [tilespmem:s19+$0x5400]  }
0xad: {  	v3 =	vld [tilespmem:s19+$0x5410]  }
0xae: {  	v4 =	vld [tilespmem:s19+$0x5420]  }
0xaf: {  	v5 =	vld [tilespmem:s19+$0x5430]  }
0xb0: {  	[tilespmem:s19+$0x94F0] =	vst.add.f32.msk $0xffff, v1  }
0xb1: {  	v1 =	vld [tilespmem:s19+$0x5440]  }
0xb2: {  	v6 =	vld [tilespmem:s19+$0x5450]  }
0xb3: {  	v7 =	vld [tilespmem:s19+$0x5460]  }
0xb4: {  	v8 =	vld [tilespmem:s19+$0x5470]  }
0xb5: {  	v9 =	vld [tilespmem:s19+$0x5480]  }
0xb6: {  	v10 =	vld [tilespmem:s19+$0x5490]  }
0xb7: {  	v11 =	vld [tilespmem:s19+$0x54A0]  }
0xb8: {  	v12 =	vld [tilespmem:s19+$0x54B0]  }
0xb9: {  	v13 =	vld [tilespmem:s19+$0x54C0]  }
0xba: {  	v14 =	vld [tilespmem:s19+$0x54D0]  }
0xbb: {  	v15 =	vld [tilespmem:s19+$0x54E0]  }
0xbc: {  	[tilespmem:s19+$0x9400] =	vst.add.f32.msk $0xffff, v2  }
0xbd: {  	[tilespmem:s19+$0x9410] =	vst.add.f32.msk $0xffff, v3  }
0xbe: {  	[tilespmem:s19+$0x9420] =	vst.add.f32.msk $0xffff, v4  }
0xbf: {  	[tilespmem:s19+$0x9430] =	vst.add.f32.msk $0xffff, v5  }
0xc0: {  	[tilespmem:s19+$0x9440] =	vst.add.f32.msk $0xffff, v1  }
0xc1: {  	[tilespmem:s19+$0x9450] =	vst.add.f32.msk $0xffff, v6  }
0xc2: {  	[tilespmem:s19+$0x9460] =	vst.add.f32.msk $0xffff, v7  }
0xc3: {  	[tilespmem:s19+$0x9470] =	vst.add.f32.msk $0xffff, v8  }
0xc4: {  	[tilespmem:s19+$0x9480] =	vst.add.f32.msk $0xffff, v9  }
0xc5: {  	[tilespmem:s19+$0x9490] =	vst.add.f32.msk $0xffff, v10  }
.Ltmp3:
0xc6: {  	[tilespmem:s19+$0x94A0] =	vst.add.f32.msk $0xffff, v11;
	(pc) =	sbr.rel @p1 .LBB2_9-.Ltmp3, $4  }
0xc7: {  	[tilespmem:s19+$0x94B0] =	vst.add.f32.msk $0xffff, v12  }
0xc8: {  	[tilespmem:s19+$0x94C0] =	vst.add.f32.msk $0xffff, v13  }
0xc9: {  	[tilespmem:s19+$0x94D0] =	vst.add.f32.msk $0xffff, v14  }
0xca: {  	[tilespmem:s19+$0x94E0] =	vst.add.f32.msk $0xffff, v15;
	s19 =	sshra.s32 s20, $0x2;
	s20 =	sadd.s32 $0x400, s20  }
0xcb: {  	v1 =	vld [tilespmem:s19+$0x54F0]  }
0xcc: {  	v2 =	vld [tilespmem:s19+$0x5400]  }
0xcd: {  	v3 =	vld [tilespmem:s19+$0x5410]  }
0xce: {  	v4 =	vld [tilespmem:s19+$0x5420]  }
0xcf: {  	v5 =	vld [tilespmem:s19+$0x5430]  }
0xd0: {  	v6 =	vld [tilespmem:s19+$0x5450]  }
0xd1: {  	v7 =	vld [tilespmem:s19+$0x5460]  }
0xd2: {  	v8 =	vld [tilespmem:s19+$0x5470]  }
0xd3: {  	v9 =	vld [tilespmem:s19+$0x5480]  }
0xd4: {  	v10 =	vld [tilespmem:s19+$0x5490]  }
0xd5: {  	v11 =	vld [tilespmem:s19+$0x54A0]  }
0xd6: {  	v12 =	vld [tilespmem:s19+$0x54B0]  }
0xd7: {  	v13 =	vld [tilespmem:s19+$0x54C0]  }
0xd8: {  	v14 =	vld [tilespmem:s19+$0x54D0]  }
0xd9: {  	v15 =	vld [tilespmem:s19+$0x54E0]  }
0xda: {  	[tilespmem:s19+$0x94F0] =	vst.add.f32.msk $0xffff, v1  }
0xdb: {  	v1 =	vld [tilespmem:s19+$0x5440]  }
0xdc: {  	[tilespmem:s19+$0x9400] =	vst.add.f32.msk $0xffff, v2  }
0xdd: {  	[tilespmem:s19+$0x9410] =	vst.add.f32.msk $0xffff, v3  }
0xde: {  	[tilespmem:s19+$0x9420] =	vst.add.f32.msk $0xffff, v4  }
0xdf: {  	[tilespmem:s19+$0x9430] =	vst.add.f32.msk $0xffff, v5  }
0xe0: {  	[tilespmem:s19+$0x9450] =	vst.add.f32.msk $0xffff, v6  }
0xe1: {  	[tilespmem:s19+$0x9460] =	vst.add.f32.msk $0xffff, v7  }
0xe2: {  	[tilespmem:s19+$0x9470] =	vst.add.f32.msk $0xffff, v8  }
0xe3: {  	[tilespmem:s19+$0x9480] =	vst.add.f32.msk $0xffff, v9  }
0xe4: {  	[tilespmem:s19+$0x9490] =	vst.add.f32.msk $0xffff, v10  }
0xe5: {  	[tilespmem:s19+$0x94A0] =	vst.add.f32.msk $0xffff, v11  }
0xe6: {  	s18 =	sadd.s32 @!p0 $0x6, s18;
	[tilespmem:s19+$0x94B0] =	vst.add.f32.msk $0xffff, v12  }
0xe7: {  	s20 =	sshrl.u32 @!p0 s18, $0x2;
	[tilespmem:s19+$0x94C0] =	vst.add.f32.msk $0xffff, v13  }
0xe8: {  	s20 =	smul.u32 @!p0 $0x61A80, s20;
	[tilespmem:s19+$0x94D0] =	vst.add.f32.msk $0xffff, v14  }
0xe9: {  	s21 =	simm.s32 @!p0 $0x5400;
	s18 =	sshll.u32 @!p0 s18, $0x7;
	[tilespmem:s19+$0x94E0] =	vst.add.f32.msk $0xffff, v15  }
0xea: {  	s18 =	sand.u32 @!p0 $0x3FFFFF80, s18;
	[tilespmem:s19+$0x9440] =	vst.add.f32.msk $0xffff, v1;
	s19 =	sadd.s32 @!p0 s3, s20;
	s20 =	simm.s32 @!p0 $0x80  }
0xeb: {  	[tilespmem:s21], [sflag:$0x1] =	stream.indirect.gather @!p0 [hbm4b:s19+s20], $0x20, s18, s20, $0xb8;
	[tilespmem:$0xB400] =	vst v63  }
0xec: {  	_ =	swait.ge [sflag:s14], $0x1000  }
0xed: {  	[sflag:s14] =	ssyncset.done $0x0  }
0xee: {  	s18 =	simm.s32 $0x0;
	s19 =	simm.s32 $0x400;
	[sflag:s14] =	ssyncadd.s32 $0xFFFFF000  }
.LBB2_11:
0xef: {  	p0 =	sne.s32 s19, $0x3C00;
	v1 =	vld [tilespmem:s18+$0x64F0]  }
0xf0: {  	v2 =	vld [tilespmem:s18+$0x6400]  }
0xf1: {  	v3 =	vld [tilespmem:s18+$0x6410]  }
0xf2: {  	v4 =	vld [tilespmem:s18+$0x6420]  }
0xf3: {  	v5 =	vld [tilespmem:s18+$0x6430]  }
0xf4: {  	[tilespmem:s18+$0xA4F0] =	vst.add.f32.msk $0xffff, v1  }
0xf5: {  	v1 =	vld [tilespmem:s18+$0x6440]  }
0xf6: {  	v6 =	vld [tilespmem:s18+$0x6450]  }
0xf7: {  	v7 =	vld [tilespmem:s18+$0x6460]  }
0xf8: {  	v8 =	vld [tilespmem:s18+$0x6470]  }
0xf9: {  	v9 =	vld [tilespmem:s18+$0x6480]  }
0xfa: {  	v10 =	vld [tilespmem:s18+$0x6490]  }
0xfb: {  	v11 =	vld [tilespmem:s18+$0x64A0]  }
0xfc: {  	v12 =	vld [tilespmem:s18+$0x64B0]  }
0xfd: {  	v13 =	vld [tilespmem:s18+$0x64C0]  }
0xfe: {  	v14 =	vld [tilespmem:s18+$0x64D0]  }
0xff: {  	v15 =	vld [tilespmem:s18+$0x64E0]  }
0x100: {  	[tilespmem:s18+$0xA400] =	vst.add.f32.msk $0xffff, v2  }
0x101: {  	[tilespmem:s18+$0xA410] =	vst.add.f32.msk $0xffff, v3  }
0x102: {  	[tilespmem:s18+$0xA420] =	vst.add.f32.msk $0xffff, v4  }
0x103: {  	[tilespmem:s18+$0xA430] =	vst.add.f32.msk $0xffff, v5  }
0x104: {  	[tilespmem:s18+$0xA440] =	vst.add.f32.msk $0xffff, v1  }
0x105: {  	[tilespmem:s18+$0xA450] =	vst.add.f32.msk $0xffff, v6  }
0x106: {  	[tilespmem:s18+$0xA460] =	vst.add.f32.msk $0xffff, v7  }
0x107: {  	[tilespmem:s18+$0xA470] =	vst.add.f32.msk $0xffff, v8  }
0x108: {  	[tilespmem:s18+$0xA480] =	vst.add.f32.msk $0xffff, v9  }
0x109: {  	[tilespmem:s18+$0xA490] =	vst.add.f32.msk $0xffff, v10  }
.Ltmp4:
0x10a: {  	[tilespmem:s18+$0xA4A0] =	vst.add.f32.msk $0xffff, v11;
	(pc) =	sbr.rel @p0 .LBB2_11-.Ltmp4, $4  }
0x10b: {  	[tilespmem:s18+$0xA4B0] =	vst.add.f32.msk $0xffff, v12  }
0x10c: {  	[tilespmem:s18+$0xA4C0] =	vst.add.f32.msk $0xffff, v13  }
0x10d: {  	[tilespmem:s18+$0xA4D0] =	vst.add.f32.msk $0xffff, v14  }
0x10e: {  	[tilespmem:s18+$0xA4E0] =	vst.add.f32.msk $0xffff, v15;
	s18 =	sshra.s32 s19, $0x2;
	s19 =	sadd.s32 $0x400, s19  }
0x10f: {  	v1 =	vld [tilespmem:s18+$0x64F0]  }
0x110: {  	v2 =	vld [tilespmem:s18+$0x6400]  }
0x111: {  	v3 =	vld [tilespmem:s18+$0x6410]  }
0x112: {  	v4 =	vld [tilespmem:s18+$0x6420]  }
0x113: {  	v5 =	vld [tilespmem:s18+$0x6430]  }
0x114: {  	v6 =	vld [tilespmem:s18+$0x6450]  }
0x115: {  	v7 =	vld [tilespmem:s18+$0x6460]  }
0x116: {  	v8 =	vld [tilespmem:s18+$0x6470]  }
0x117: {  	v9 =	vld [tilespmem:s18+$0x6480]  }
0x118: {  	v10 =	vld [tilespmem:s18+$0x6490]  }
0x119: {  	v11 =	vld [tilespmem:s18+$0x64A0]  }
0x11a: {  	v12 =	vld [tilespmem:s18+$0x64B0]  }
0x11b: {  	v13 =	vld [tilespmem:s18+$0x64C0]  }
0x11c: {  	v14 =	vld [tilespmem:s18+$0x64D0]  }
0x11d: {  	v15 =	vld [tilespmem:s18+$0x64E0]  }
0x11e: {  	[tilespmem:s18+$0xA4F0] =	vst.add.f32.msk $0xffff, v1  }
0x11f: {  	v1 =	vld [tilespmem:s18+$0x6440]  }
0x120: {  	[tilespmem:s18+$0xA400] =	vst.add.f32.msk $0xffff, v2  }
0x121: {  	[tilespmem:s18+$0xA410] =	vst.add.f32.msk $0xffff, v3  }
0x122: {  	[tilespmem:s18+$0xA420] =	vst.add.f32.msk $0xffff, v4  }
0x123: {  	[tilespmem:s18+$0xA430] =	vst.add.f32.msk $0xffff, v5  }
0x124: {  	[tilespmem:s18+$0xA450] =	vst.add.f32.msk $0xffff, v6  }
0x125: {  	[tilespmem:s18+$0xA460] =	vst.add.f32.msk $0xffff, v7  }
0x126: {  	[tilespmem:s18+$0xA470] =	vst.add.f32.msk $0xffff, v8  }
0x127: {  	[tilespmem:s18+$0xA480] =	vst.add.f32.msk $0xffff, v9  }
0x128: {  	s17 =	sadd.s32 $0x1, s17;
	[tilespmem:s18+$0xA490] =	vst.add.f32.msk $0xffff, v10  }
0x129: {  	p0 =	sne.s32 s17, $0x1A;
	[tilespmem:s18+$0xA4A0] =	vst.add.f32.msk $0xffff, v11  }
.Ltmp5:
0x12a: {  	[tilespmem:s18+$0xA4B0] =	vst.add.f32.msk $0xffff, v12;
	(pc) =	sbr.rel @p0 .LBB2_4-.Ltmp5, $4  }
0x12b: {  	[tilespmem:s18+$0xA4C0] =	vst.add.f32.msk $0xffff, v13  }
0x12c: {  	[tilespmem:s18+$0xA4D0] =	vst.add.f32.msk $0xffff, v14  }
0x12d: {  	[tilespmem:s18+$0xA4E0] =	vst.add.f32.msk $0xffff, v15  }
0x12e: {  	[tilespmem:s18+$0xA440] =	vst.add.f32.msk $0xffff, v1  }
0x12f: {  	s16 =	sadd.s32 $0x1, s16  }
0x130: {  	p0 =	sne.s32 s16, s6  }
.Ltmp6:
0x131: {  	_ = 	snop;
	(pc) =	sbr.rel @p0 .LBB2_1-.Ltmp6, $4  }
0x132: {  	[hbm4b:s5+s2] =	stream.linear.scatter [tilespmem:s15], [sflag:$0x2], $0x4000, $0x38;
	[tilespmem:$0xB400] =	vst v63  }
0x133: {  	_ =	swait.ge [sflag:s7], $0x4000  }
0x134: {  	[sflag:s7] =	ssyncset.done $0x0  }
0x135: {  	[sflag:s7] =	ssyncadd.s32 $0xFFFFC000  }
0x136: {  	_ =	sfence.sel $0x180000  }
0x137: {  	[bflag:$0x0] =	sbarrier.arrive $0xFFFF  }
0x138: {  	p0 =	sne.s32 s0, $0x0;
	_ =	strace $0x90000047  }
0x139: {  	s0 =	sadd.s32 @!p0 $0x100000, s1;
	[bflag:$0x2] =	sbarrier.arrive $0xFFFF  }
0x13a: {  	[sflag:s0] =	ssyncadd.tile.s32 @!p0 $0x1;
	_ =	shalt  }
.Lfunc_end2:
_tile_overlayer_lowered:
.L_overlay_start_2:
0x13b: {  	(tag) =	ssettag $0x2  }
0x13c: {  	s0 =	rddreg [dreg:$0x0];
	s2 =	stileid.u32  }
0x13d: {  	s1 =	rddreg [dreg:$0x1];
	p0 =	sne.s32 s2, $0x0  }
0x13e: {  	s3 =	rddreg [dreg:$0x2];
	[bflag:$0x3] =	sbarrier.arrive $0xFFFF;
	s2 =	simm.s32 @!p0 $0x1C02  }
0x13f: {  	[timem:s3], [sflag:s2] =	dma.local @!p0 [hbm:s0], s1  }
0x140: {  	s0 =	simm.s32 @!p0 $0x2  }
0x141: {  	_ =	swait.ge @!p0 [sflag:s0], s1  }
0x142: {  	s1 =	ssub.s32 @!p0 $0x0, s1;
	[sflag:s0] =	ssyncset.done @!p0 $0x0  }
0x143: {  	[sflag:s0] =	ssyncadd.s32 @!p0 s1  }
0x144: {  	[bflag:$0x3] =	sbarrier.arrive $0xFFFF  }
0x145: {  	_ =	shalt  }

</sc_bundles>
